<compile_context>
chip_gen: v7x
topology: tpu7x:2x2x1
jax: 0.10.2.dev20260603
libtpu: 0.0.44.dev20260713+nightly
codegen_flags: <defaults>
</compile_context>

<pallas_src>
import functools

import jax
import jax.numpy as jnp
from jax import lax
from jax.experimental import pallas as pl
from jax.experimental.pallas import tpu as pltpu
from jax.experimental.pallas import tpu_sc as plsc


def kernel(input_ids, table):
    batch_size, seq_len = input_ids.shape
    max_len, d_model = table.shape

    info = plsc.get_sparse_core_info()
    nc, ns = info.num_cores, info.num_subcores
    nw = nc * ns
    rows_per_w = seq_len // nw
    chunk = 56
    nbuf = 2
    bounds = list(range(0, rows_per_w, chunk)) + [rows_per_w]
    sizes = [bounds[j + 1] - bounds[j] for j in range(len(bounds) - 1)]
    n_chunks = len(sizes)

    mesh = plsc.VectorSubcoreMesh(core_axis_name="c", subcore_axis_name="s")

    @functools.partial(
        pl.kernel,
        mesh=mesh,
        out_type=jax.ShapeDtypeStruct((batch_size, seq_len, d_model), table.dtype),
        scratch_types=[
            pltpu.VMEM((nbuf, chunk, d_model), jnp.float32),
            pltpu.SemaphoreType.DMA,
            pltpu.SemaphoreType.DMA,
        ],
    )
    def sc_copy(table_hbm, out_hbm, bufs, insem, outsem):
        wid = lax.axis_index("s") * nc + lax.axis_index("c")
        base = wid * rows_per_w

        def cp_in(i):
            start = base + bounds[i]
            return pltpu.async_copy(
                table_hbm.at[pl.ds(start, sizes[i])],
                bufs.at[i % nbuf, pl.ds(0, sizes[i])],
                insem,
            )

        def cp_out(i, b):
            start = base + bounds[i]
            return pltpu.async_copy(
                bufs.at[i % nbuf, pl.ds(0, sizes[i])],
                out_hbm.at[b, pl.ds(start, sizes[i])],
                outsem,
            )

        h_in = [None] * n_chunks
        h_out = [None] * n_chunks
        h_in[0] = cp_in(0)
        for i in range(n_chunks):
            if i + 1 < n_chunks:
                if i + 1 - nbuf >= 0:
                    for h in h_out[i + 1 - nbuf]:
                        h.wait()
                h_in[i + 1] = cp_in(i + 1)
            h_in[i].wait()
            h_out[i] = [cp_out(i, b) for b in range(batch_size)]
        for i in range(max(0, n_chunks - nbuf), n_chunks):
            for h in h_out[i]:
                h.wait()

    return sc_copy(table)

# --- scband reference (transcript-rebuilt; emitter-appended) ---
"""Pipeline reference for scband-learned-position-embedding-52905407152221 (READ-ONLY COPY).

The authoritative reference and input builder live on the scoring server;
editing this copy changes nothing except your own understanding.
"""

import jax, jax.numpy as jnp
import numpy as np

MAX_LENGTH = 8192
D_MODEL = 1024

def setup_inputs(seed: int = 0) -> dict:
    key = jax.random.key(seed)
    k1, k2 = jax.random.split(key)
    input_ids = jax.random.randint(k1, (4, 8192), 0, 8192, dtype=jnp.int64)
    table = jax.random.normal(k2, (MAX_LENGTH, D_MODEL), dtype=jnp.float32) * 0.02
    return {"input_ids": input_ids, "table": table}

def reference(input_ids, table):
    batch_size, seq_len = input_ids.shape
    # position ids: arange(seq_len) expanded over batch (input values unused, only shape)
    position_ids = jnp.arange(seq_len, dtype=jnp.int32)[None, :]
    position_ids = jnp.broadcast_to(position_ids, (batch_size, seq_len))
    # embedding lookup (gather rows of the learned table)
    out = jnp.take(table, position_ids, axis=0)
    return out

if __name__ == "__main__":
    import jax
    _d = setup_inputs()
    print(jax.jit(kernel)(*tuple(_d.values())))

</pallas_src>

<mosaic_0001>
#map = affine_map<(d0, d1) -> (0, 0)>
#map1 = affine_map<(d0, d1) -> (0, 0, 0)>
module attributes {stable_mosaic.version = 14 : i64} {
  func.func @sc_copy(%arg0: i32, %arg1: i32, %arg2: memref<8192x1024xf32, #tpu.memory_space<hbm>>, %arg3: memref<4x8192x1024xf32, #tpu.memory_space<hbm>>, %arg4: memref<2x56x1024xf32, #tpu.memory_space<vmem>>, %arg5: memref<!tpu.dma_semaphore, #tpu.memory_space<semaphore_mem>>, %arg6: memref<!tpu.dma_semaphore, #tpu.memory_space<semaphore_mem>>) attributes {dimension_semantics = [#tpu.dimension_semantics<core_parallel>, #tpu.dimension_semantics<subcore_parallel>], iteration_bounds = array<i64: 2, 16>, scalar_prefetch = 0 : i64, scratch_operands = 3 : i64, tpu.core_type = #tpu.core_type<sc_vector_subcore>, window_params = [{transform_indices = #map}, {transform_indices = #map1}]} {
    %mul3A = arith.constant 2 : i32
    %mul3A_0 = arith.muli %arg1, %mul3A : i32
    %add3A = arith.addi %mul3A_0, %arg0 : i32
    %mul3A_1 = arith.constant 256 : i32
    %mul3A_2 = arith.muli %add3A, %mul3A_1 : i32
    %add3A_3 = arith.constant 0 : i32
    %add3A_4 = arith.addi %mul3A_2, %add3A_3 : i32
    %dma_start3A = arith.constant 0 : i32
    %dma_start3A_5 = arith.constant 0 : i32
    %dma_start3A_6 = arith.constant 0 : i32
    %dma_start3A_7 = tpu.memref_slice %arg4[%dma_start3A, %dma_start3A_5, %dma_start3A_6] : memref<2x56x1024xf32, #tpu.memory_space<vmem>> -> memref<1x56x1024xf32, #tpu.memory_space<vmem>>
    %dma_start3A_8 = tpu.memref_squeeze %dma_start3A_7 : memref<1x56x1024xf32, #tpu.memory_space<vmem>> -> memref<56x1024xf32, #tpu.memory_space<vmem>>
    %dma_start3A_9 = arith.constant 0 : i32
    %dma_start3A_10 = tpu.memref_slice %arg2[%add3A_4, %dma_start3A_9] : memref<8192x1024xf32, #tpu.memory_space<hbm>> -> memref<56x1024xf32, #tpu.memory_space<hbm>>
    %dma_start3A_11 = arith.constant 0 : i32
    %dma_start3A_12 = arith.constant 0 : i32
    %dma_start3A_13 = tpu.memref_slice %arg4[%dma_start3A, %dma_start3A_11, %dma_start3A_12] : memref<2x56x1024xf32, #tpu.memory_space<vmem>> -> memref<1x56x1024xf32, #tpu.memory_space<vmem>>
    %dma_start3A_14 = tpu.memref_squeeze %dma_start3A_13 : memref<1x56x1024xf32, #tpu.memory_space<vmem>> -> memref<56x1024xf32, #tpu.memory_space<vmem>>
    %dma_start3A_15 = arith.constant 0 : i32
    %dma_start3A_16 = tpu.memref_slice %arg2[%add3A_4, %dma_start3A_15] : memref<8192x1024xf32, #tpu.memory_space<hbm>> -> memref<56x1024xf32, #tpu.memory_space<hbm>>
    tpu.enqueue_dma source(%dma_start3A_16 : memref<56x1024xf32, #tpu.memory_space<hbm>>) target(%dma_start3A_14 : memref<56x1024xf32, #tpu.memory_space<vmem>>) target_semaphore(%arg5 : memref<!tpu.dma_semaphore, #tpu.memory_space<semaphore_mem>>)
    %add3A_17 = arith.constant 56 : i32
    %add3A_18 = arith.addi %mul3A_2, %add3A_17 : i32
    %dma_start3A_19 = arith.constant 1 : i32
    %dma_start3A_20 = arith.constant 0 : i32
    %dma_start3A_21 = arith.constant 0 : i32
    %dma_start3A_22 = tpu.memref_slice %arg4[%dma_start3A_19, %dma_start3A_20, %dma_start3A_21] : memref<2x56x1024xf32, #tpu.memory_space<vmem>> -> memref<1x56x1024xf32, #tpu.memory_space<vmem>>
    %dma_start3A_23 = tpu.memref_squeeze %dma_start3A_22 : memref<1x56x1024xf32, #tpu.memory_space<vmem>> -> memref<56x1024xf32, #tpu.memory_space<vmem>>
    %dma_start3A_24 = arith.constant 0 : i32
    %dma_start3A_25 = tpu.memref_slice %arg2[%add3A_18, %dma_start3A_24] : memref<8192x1024xf32, #tpu.memory_space<hbm>> -> memref<56x1024xf32, #tpu.memory_space<hbm>>
    %dma_start3A_26 = arith.constant 0 : i32
    %dma_start3A_27 = arith.constant 0 : i32
    %dma_start3A_28 = tpu.memref_slice %arg4[%dma_start3A_19, %dma_start3A_26, %dma_start3A_27] : memref<2x56x1024xf32, #tpu.memory_space<vmem>> -> memref<1x56x1024xf32, #tpu.memory_space<vmem>>
    %dma_start3A_29 = tpu.memref_squeeze %dma_start3A_28 : memref<1x56x1024xf32, #tpu.memory_space<vmem>> -> memref<56x1024xf32, #tpu.memory_space<vmem>>
    %dma_start3A_30 = arith.constant 0 : i32
    %dma_start3A_31 = tpu.memref_slice %arg2[%add3A_18, %dma_start3A_30] : memref<8192x1024xf32, #tpu.memory_space<hbm>> -> memref<56x1024xf32, #tpu.memory_space<hbm>>
    tpu.enqueue_dma source(%dma_start3A_31 : memref<56x1024xf32, #tpu.memory_space<hbm>>) target(%dma_start3A_29 : memref<56x1024xf32, #tpu.memory_space<vmem>>) target_semaphore(%arg5 : memref<!tpu.dma_semaphore, #tpu.memory_space<semaphore_mem>>)
    %dma_wait3A = arith.constant 0 : i32
    %dma_wait3A_32 = arith.constant 0 : i32
    %dma_wait3A_33 = arith.constant 0 : i32
    %dma_wait3A_34 = tpu.memref_slice %arg4[%dma_wait3A, %dma_wait3A_32, %dma_wait3A_33] : memref<2x56x1024xf32, #tpu.memory_space<vmem>> -> memref<1x56x1024xf32, #tpu.memory_space<vmem>>
    %dma_wait3A_35 = tpu.memref_squeeze %dma_wait3A_34 : memref<1x56x1024xf32, #tpu.memory_space<vmem>> -> memref<56x1024xf32, #tpu.memory_space<vmem>>
    %dma_wait3A_36 = arith.constant 0 : i32
    %dma_wait3A_37 = tpu.memref_slice %arg2[%add3A_4, %dma_wait3A_36] : memref<8192x1024xf32, #tpu.memory_space<hbm>> -> memref<56x1024xf32, #tpu.memory_space<hbm>>
    %dma_wait3A_38 = arith.constant 0 : i32
    %dma_wait3A_39 = arith.constant 0 : i32
    %dma_wait3A_40 = tpu.memref_slice %arg4[%dma_wait3A, %dma_wait3A_38, %dma_wait3A_39] : memref<2x56x1024xf32, #tpu.memory_space<vmem>> -> memref<1x56x1024xf32, #tpu.memory_space<vmem>>
    %dma_wait3A_41 = tpu.memref_squeeze %dma_wait3A_40 : memref<1x56x1024xf32, #tpu.memory_space<vmem>> -> memref<56x1024xf32, #tpu.memory_space<vmem>>
    %dma_wait3A_42 = arith.constant 0 : i32
    %dma_wait3A_43 = tpu.memref_slice %arg2[%add3A_4, %dma_wait3A_42] : memref<8192x1024xf32, #tpu.memory_space<hbm>> -> memref<56x1024xf32, #tpu.memory_space<hbm>>
    tpu.wait_dma2 semaphore(%arg5 : memref<!tpu.dma_semaphore, #tpu.memory_space<semaphore_mem>>) src(%dma_wait3A_43 : memref<56x1024xf32, #tpu.memory_space<hbm>>) dst(%dma_wait3A_41 : memref<56x1024xf32, #tpu.memory_space<vmem>>)
    %add3A_44 = arith.constant 0 : i32
    %add3A_45 = arith.addi %mul3A_2, %add3A_44 : i32
    %dma_start3A_46 = arith.constant 0 : i32
    %dma_start3A_47 = arith.constant 0 : i32
    %dma_start3A_48 = arith.constant 0 : i32
    %dma_start3A_49 = arith.constant 0 : i32
    %dma_start3A_50 = tpu.memref_slice %arg4[%dma_start3A_46, %dma_start3A_48, %dma_start3A_49] : memref<2x56x1024xf32, #tpu.memory_space<vmem>> -> memref<1x56x1024xf32, #tpu.memory_space<vmem>>
    %dma_start3A_51 = tpu.memref_squeeze %dma_start3A_50 : memref<1x56x1024xf32, #tpu.memory_space<vmem>> -> memref<56x1024xf32, #tpu.memory_space<vmem>>
    %dma_start3A_52 = arith.constant 0 : i32
    %dma_start3A_53 = tpu.memref_slice %arg3[%dma_start3A_47, %add3A_45, %dma_start3A_52] : memref<4x8192x1024xf32, #tpu.memory_space<hbm>> -> memref<1x56x1024xf32, #tpu.memory_space<hbm>>
    %dma_start3A_54 = tpu.memref_squeeze %dma_start3A_53 : memref<1x56x1024xf32, #tpu.memory_space<hbm>> -> memref<56x1024xf32, #tpu.memory_space<hbm>>
    %dma_start3A_55 = arith.constant 0 : i32
    %dma_start3A_56 = tpu.memref_slice %arg3[%dma_start3A_47, %add3A_45, %dma_start3A_55] : memref<4x8192x1024xf32, #tpu.memory_space<hbm>> -> memref<1x56x1024xf32, #tpu.memory_space<hbm>>
    %dma_start3A_57 = tpu.memref_squeeze %dma_start3A_56 : memref<1x56x1024xf32, #tpu.memory_space<hbm>> -> memref<56x1024xf32, #tpu.memory_space<hbm>>
    %dma_start3A_58 = arith.constant 0 : i32
    %dma_start3A_59 = arith.constant 0 : i32
    %dma_start3A_60 = tpu.memref_slice %arg4[%dma_start3A_46, %dma_start3A_58, %dma_start3A_59] : memref<2x56x1024xf32, #tpu.memory_space<vmem>> -> memref<1x56x1024xf32, #tpu.memory_space<vmem>>
    %dma_start3A_61 = tpu.memref_squeeze %dma_start3A_60 : memref<1x56x1024xf32, #tpu.memory_space<vmem>> -> memref<56x1024xf32, #tpu.memory_space<vmem>>
    tpu.enqueue_dma source(%dma_start3A_61 : memref<56x1024xf32, #tpu.memory_space<vmem>>) target(%dma_start3A_57 : memref<56x1024xf32, #tpu.memory_space<hbm>>) target_semaphore(%arg6 : memref<!tpu.dma_semaphore, #tpu.memory_space<semaphore_mem>>)
    %add3A_62 = arith.constant 0 : i32
    %add3A_63 = arith.addi %mul3A_2, %add3A_62 : i32
    %dma_start3A_64 = arith.constant 0 : i32
    %dma_start3A_65 = arith.constant 1 : i32
    %dma_start3A_66 = arith.constant 0 : i32
    %dma_start3A_67 = arith.constant 0 : i32
    %dma_start3A_68 = tpu.memref_slice %arg4[%dma_start3A_64, %dma_start3A_66, %dma_start3A_67] : memref<2x56x1024xf32, #tpu.memory_space<vmem>> -> memref<1x56x1024xf32, #tpu.memory_space<vmem>>
    %dma_start3A_69 = tpu.memref_squeeze %dma_start3A_68 : memref<1x56x1024xf32, #tpu.memory_space<vmem>> -> memref<56x1024xf32, #tpu.memory_space<vmem>>
    %dma_start3A_70 = arith.constant 0 : i32
    %dma_start3A_71 = tpu.memref_slice %arg3[%dma_start3A_65, %add3A_63, %dma_start3A_70] : memref<4x8192x1024xf32, #tpu.memory_space<hbm>> -> memref<1x56x1024xf32, #tpu.memory_space<hbm>>
    %dma_start3A_72 = tpu.memref_squeeze %dma_start3A_71 : memref<1x56x1024xf32, #tpu.memory_space<hbm>> -> memref<56x1024xf32, #tpu.memory_space<hbm>>
    %dma_start3A_73 = arith.constant 0 : i32
    %dma_start3A_74 = tpu.memref_slice %arg3[%dma_start3A_65, %add3A_63, %dma_start3A_73] : memref<4x8192x1024xf32, #tpu.memory_space<hbm>> -> memref<1x56x1024xf32, #tpu.memory_space<hbm>>
    %dma_start3A_75 = tpu.memref_squeeze %dma_start3A_74 : memref<1x56x1024xf32, #tpu.memory_space<hbm>> -> memref<56x1024xf32, #tpu.memory_space<hbm>>
    %dma_start3A_76 = arith.constant 0 : i32
    %dma_start3A_77 = arith.constant 0 : i32
    %dma_start3A_78 = tpu.memref_slice %arg4[%dma_start3A_64, %dma_start3A_76, %dma_start3A_77] : memref<2x56x1024xf32, #tpu.memory_space<vmem>> -> memref<1x56x1024xf32, #tpu.memory_space<vmem>>
    %dma_start3A_79 = tpu.memref_squeeze %dma_start3A_78 : memref<1x56x1024xf32, #tpu.memory_space<vmem>> -> memref<56x1024xf32, #tpu.memory_space<vmem>>
    tpu.enqueue_dma source(%dma_start3A_79 : memref<56x1024xf32, #tpu.memory_space<vmem>>) target(%dma_start3A_75 : memref<56x1024xf32, #tpu.memory_space<hbm>>) target_semaphore(%arg6 : memref<!tpu.dma_semaphore, #tpu.memory_space<semaphore_mem>>)
    %add3A_80 = arith.constant 0 : i32
    %add3A_81 = arith.addi %mul3A_2, %add3A_80 : i32
    %dma_start3A_82 = arith.constant 0 : i32
    %dma_start3A_83 = arith.constant 2 : i32
    %dma_start3A_84 = arith.constant 0 : i32
    %dma_start3A_85 = arith.constant 0 : i32
    %dma_start3A_86 = tpu.memref_slice %arg4[%dma_start3A_82, %dma_start3A_84, %dma_start3A_85] : memref<2x56x1024xf32, #tpu.memory_space<vmem>> -> memref<1x56x1024xf32, #tpu.memory_space<vmem>>
    %dma_start3A_87 = tpu.memref_squeeze %dma_start3A_86 : memref<1x56x1024xf32, #tpu.memory_space<vmem>> -> memref<56x1024xf32, #tpu.memory_space<vmem>>
    %dma_start3A_88 = arith.constant 0 : i32
    %dma_start3A_89 = tpu.memref_slice %arg3[%dma_start3A_83, %add3A_81, %dma_start3A_88] : memref<4x8192x1024xf32, #tpu.memory_space<hbm>> -> memref<1x56x1024xf32, #tpu.memory_space<hbm>>
    %dma_start3A_90 = tpu.memref_squeeze %dma_start3A_89 : memref<1x56x1024xf32, #tpu.memory_space<hbm>> -> memref<56x1024xf32, #tpu.memory_space<hbm>>
    %dma_start3A_91 = arith.constant 0 : i32
    %dma_start3A_92 = tpu.memref_slice %arg3[%dma_start3A_83, %add3A_81, %dma_start3A_91] : memref<4x8192x1024xf32, #tpu.memory_space<hbm>> -> memref<1x56x1024xf32, #tpu.memory_space<hbm>>
    %dma_start3A_93 = tpu.memref_squeeze %dma_start3A_92 : memref<1x56x1024xf32, #tpu.memory_space<hbm>> -> memref<56x1024xf32, #tpu.memory_space<hbm>>
    %dma_start3A_94 = arith.constant 0 : i32
    %dma_start3A_95 = arith.constant 0 : i32
    %dma_start3A_96 = tpu.memref_slice %arg4[%dma_start3A_82, %dma_start3A_94, %dma_start3A_95] : memref<2x56x1024xf32, #tpu.memory_space<vmem>> -> memref<1x56x1024xf32, #tpu.memory_space<vmem>>
    %dma_start3A_97 = tpu.memref_squeeze %dma_start3A_96 : memref<1x56x1024xf32, #tpu.memory_space<vmem>> -> memref<56x1024xf32, #tpu.memory_space<vmem>>
    tpu.enqueue_dma source(%dma_start3A_97 : memref<56x1024xf32, #tpu.memory_space<vmem>>) target(%dma_start3A_93 : memref<56x1024xf32, #tpu.memory_space<hbm>>) target_semaphore(%arg6 : memref<!tpu.dma_semaphore, #tpu.memory_space<semaphore_mem>>)
    %add3A_98 = arith.constant 0 : i32
    %add3A_99 = arith.addi %mul3A_2, %add3A_98 : i32
    %dma_start3A_100 = arith.constant 0 : i32
    %dma_start3A_101 = arith.constant 3 : i32
    %dma_start3A_102 = arith.constant 0 : i32
    %dma_start3A_103 = arith.constant 0 : i32
    %dma_start3A_104 = tpu.memref_slice %arg4[%dma_start3A_100, %dma_start3A_102, %dma_start3A_103] : memref<2x56x1024xf32, #tpu.memory_space<vmem>> -> memref<1x56x1024xf32, #tpu.memory_space<vmem>>
    %dma_start3A_105 = tpu.memref_squeeze %dma_start3A_104 : memref<1x56x1024xf32, #tpu.memory_space<vmem>> -> memref<56x1024xf32, #tpu.memory_space<vmem>>
    %dma_start3A_106 = arith.constant 0 : i32
    %dma_start3A_107 = tpu.memref_slice %arg3[%dma_start3A_101, %add3A_99, %dma_start3A_106] : memref<4x8192x1024xf32, #tpu.memory_space<hbm>> -> memref<1x56x1024xf32, #tpu.memory_space<hbm>>
    %dma_start3A_108 = tpu.memref_squeeze %dma_start3A_107 : memref<1x56x1024xf32, #tpu.memory_space<hbm>> -> memref<56x1024xf32, #tpu.memory_space<hbm>>
    %dma_start3A_109 = arith.constant 0 : i32
    %dma_start3A_110 = tpu.memref_slice %arg3[%dma_start3A_101, %add3A_99, %dma_start3A_109] : memref<4x8192x1024xf32, #tpu.memory_space<hbm>> -> memref<1x56x1024xf32, #tpu.memory_space<hbm>>
    %dma_start3A_111 = tpu.memref_squeeze %dma_start3A_110 : memref<1x56x1024xf32, #tpu.memory_space<hbm>> -> memref<56x1024xf32, #tpu.memory_space<hbm>>
    %dma_start3A_112 = arith.constant 0 : i32
    %dma_start3A_113 = arith.constant 0 : i32
    %dma_start3A_114 = tpu.memref_slice %arg4[%dma_start3A_100, %dma_start3A_112, %dma_start3A_113] : memref<2x56x1024xf32, #tpu.memory_space<vmem>> -> memref<1x56x1024xf32, #tpu.memory_space<vmem>>
    %dma_start3A_115 = tpu.memref_squeeze %dma_start3A_114 : memref<1x56x1024xf32, #tpu.memory_space<vmem>> -> memref<56x1024xf32, #tpu.memory_space<vmem>>
    tpu.enqueue_dma source(%dma_start3A_115 : memref<56x1024xf32, #tpu.memory_space<vmem>>) target(%dma_start3A_111 : memref<56x1024xf32, #tpu.memory_space<hbm>>) target_semaphore(%arg6 : memref<!tpu.dma_semaphore, #tpu.memory_space<semaphore_mem>>)
    %dma_wait3A_116 = arith.constant 0 : i32
    %dma_wait3A_117 = arith.constant 0 : i32
    %dma_wait3A_118 = arith.constant 0 : i32
    %dma_wait3A_119 = arith.constant 0 : i32
    %dma_wait3A_120 = tpu.memref_slice %arg4[%dma_wait3A_116, %dma_wait3A_118, %dma_wait3A_119] : memref<2x56x1024xf32, #tpu.memory_space<vmem>> -> memref<1x56x1024xf32, #tpu.memory_space<vmem>>
    %dma_wait3A_121 = tpu.memref_squeeze %dma_wait3A_120 : memref<1x56x1024xf32, #tpu.memory_space<vmem>> -> memref<56x1024xf32, #tpu.memory_space<vmem>>
    %dma_wait3A_122 = arith.constant 0 : i32
    %dma_wait3A_123 = tpu.memref_slice %arg3[%dma_wait3A_117, %add3A_45, %dma_wait3A_122] : memref<4x8192x1024xf32, #tpu.memory_space<hbm>> -> memref<1x56x1024xf32, #tpu.memory_space<hbm>>
    %dma_wait3A_124 = tpu.memref_squeeze %dma_wait3A_123 : memref<1x56x1024xf32, #tpu.memory_space<hbm>> -> memref<56x1024xf32, #tpu.memory_space<hbm>>
    %dma_wait3A_125 = arith.constant 0 : i32
    %dma_wait3A_126 = tpu.memref_slice %arg3[%dma_wait3A_117, %add3A_45, %dma_wait3A_125] : memref<4x8192x1024xf32, #tpu.memory_space<hbm>> -> memref<1x56x1024xf32, #tpu.memory_space<hbm>>
    %dma_wait3A_127 = tpu.memref_squeeze %dma_wait3A_126 : memref<1x56x1024xf32, #tpu.memory_space<hbm>> -> memref<56x1024xf32, #tpu.memory_space<hbm>>
    %dma_wait3A_128 = arith.constant 0 : i32
    %dma_wait3A_129 = arith.constant 0 : i32
    %dma_wait3A_130 = tpu.memref_slice %arg4[%dma_wait3A_116, %dma_wait3A_128, %dma_wait3A_129] : memref<2x56x1024xf32, #tpu.memory_space<vmem>> -> memref<1x56x1024xf32, #tpu.memory_space<vmem>>
    %dma_wait3A_131 = tpu.memref_squeeze %dma_wait3A_130 : memref<1x56x1024xf32, #tpu.memory_space<vmem>> -> memref<56x1024xf32, #tpu.memory_space<vmem>>
    tpu.wait_dma2 semaphore(%arg6 : memref<!tpu.dma_semaphore, #tpu.memory_space<semaphore_mem>>) src(%dma_wait3A_131 : memref<56x1024xf32, #tpu.memory_space<vmem>>) dst(%dma_wait3A_127 : memref<56x1024xf32, #tpu.memory_space<hbm>>)
    %dma_wait3A_132 = arith.constant 0 : i32
    %dma_wait3A_133 = arith.constant 1 : i32
    %dma_wait3A_134 = arith.constant 0 : i32
    %dma_wait3A_135 = arith.constant 0 : i32
    %dma_wait3A_136 = tpu.memref_slice %arg4[%dma_wait3A_132, %dma_wait3A_134, %dma_wait3A_135] : memref<2x56x1024xf32, #tpu.memory_space<vmem>> -> memref<1x56x1024xf32, #tpu.memory_space<vmem>>
    %dma_wait3A_137 = tpu.memref_squeeze %dma_wait3A_136 : memref<1x56x1024xf32, #tpu.memory_space<vmem>> -> memref<56x1024xf32, #tpu.memory_space<vmem>>
    %dma_wait3A_138 = arith.constant 0 : i32
    %dma_wait3A_139 = tpu.memref_slice %arg3[%dma_wait3A_133, %add3A_63, %dma_wait3A_138] : memref<4x8192x1024xf32, #tpu.memory_space<hbm>> -> memref<1x56x1024xf32, #tpu.memory_space<hbm>>
    %dma_wait3A_140 = tpu.memref_squeeze %dma_wait3A_139 : memref<1x56x1024xf32, #tpu.memory_space<hbm>> -> memref<56x1024xf32, #tpu.memory_space<hbm>>
    %dma_wait3A_141 = arith.constant 0 : i32
    %dma_wait3A_142 = tpu.memref_slice %arg3[%dma_wait3A_133, %add3A_63, %dma_wait3A_141] : memref<4x8192x1024xf32, #tpu.memory_space<hbm>> -> memref<1x56x1024xf32, #tpu.memory_space<hbm>>
    %dma_wait3A_143 = tpu.memref_squeeze %dma_wait3A_142 : memref<1x56x1024xf32, #tpu.memory_space<hbm>> -> memref<56x1024xf32, #tpu.memory_space<hbm>>
    %dma_wait3A_144 = arith.constant 0 : i32
    %dma_wait3A_145 = arith.constant 0 : i32
    %dma_wait3A_146 = tpu.memref_slice %arg4[%dma_wait3A_132, %dma_wait3A_144, %dma_wait3A_145] : memref<2x56x1024xf32, #tpu.memory_space<vmem>> -> memref<1x56x1024xf32, #tpu.memory_space<vmem>>
    %dma_wait3A_147 = tpu.memref_squeeze %dma_wait3A_146 : memref<1x56x1024xf32, #tpu.memory_space<vmem>> -> memref<56x1024xf32, #tpu.memory_space<vmem>>
    tpu.wait_dma2 semaphore(%arg6 : memref<!tpu.dma_semaphore, #tpu.memory_space<semaphore_mem>>) src(%dma_wait3A_147 : memref<56x1024xf32, #tpu.memory_space<vmem>>) dst(%dma_wait3A_143 : memref<56x1024xf32, #tpu.memory_space<hbm>>)
    %dma_wait3A_148 = arith.constant 0 : i32
    %dma_wait3A_149 = arith.constant 2 : i32
    %dma_wait3A_150 = arith.constant 0 : i32
    %dma_wait3A_151 = arith.constant 0 : i32
    %dma_wait3A_152 = tpu.memref_slice %arg4[%dma_wait3A_148, %dma_wait3A_150, %dma_wait3A_151] : memref<2x56x1024xf32, #tpu.memory_space<vmem>> -> memref<1x56x1024xf32, #tpu.memory_space<vmem>>
    %dma_wait3A_153 = tpu.memref_squeeze %dma_wait3A_152 : memref<1x56x1024xf32, #tpu.memory_space<vmem>> -> memref<56x1024xf32, #tpu.memory_space<vmem>>
    %dma_wait3A_154 = arith.constant 0 : i32
    %dma_wait3A_155 = tpu.memref_slice %arg3[%dma_wait3A_149, %add3A_81, %dma_wait3A_154] : memref<4x8192x1024xf32, #tpu.memory_space<hbm>> -> memref<1x56x1024xf32, #tpu.memory_space<hbm>>
    %dma_wait3A_156 = tpu.memref_squeeze %dma_wait3A_155 : memref<1x56x1024xf32, #tpu.memory_space<hbm>> -> memref<56x1024xf32, #tpu.memory_space<hbm>>
    %dma_wait3A_157 = arith.constant 0 : i32
    %dma_wait3A_158 = tpu.memref_slice %arg3[%dma_wait3A_149, %add3A_81, %dma_wait3A_157] : memref<4x8192x1024xf32, #tpu.memory_space<hbm>> -> memref<1x56x1024xf32, #tpu.memory_space<hbm>>
    %dma_wait3A_159 = tpu.memref_squeeze %dma_wait3A_158 : memref<1x56x1024xf32, #tpu.memory_space<hbm>> -> memref<56x1024xf32, #tpu.memory_space<hbm>>
    %dma_wait3A_160 = arith.constant 0 : i32
    %dma_wait3A_161 = arith.constant 0 : i32
    %dma_wait3A_162 = tpu.memref_slice %arg4[%dma_wait3A_148, %dma_wait3A_160, %dma_wait3A_161] : memref<2x56x1024xf32, #tpu.memory_space<vmem>> -> memref<1x56x1024xf32, #tpu.memory_space<vmem>>
    %dma_wait3A_163 = tpu.memref_squeeze %dma_wait3A_162 : memref<1x56x1024xf32, #tpu.memory_space<vmem>> -> memref<56x1024xf32, #tpu.memory_space<vmem>>
    tpu.wait_dma2 semaphore(%arg6 : memref<!tpu.dma_semaphore, #tpu.memory_space<semaphore_mem>>) src(%dma_wait3A_163 : memref<56x1024xf32, #tpu.memory_space<vmem>>) dst(%dma_wait3A_159 : memref<56x1024xf32, #tpu.memory_space<hbm>>)
    %dma_wait3A_164 = arith.constant 0 : i32
    %dma_wait3A_165 = arith.constant 3 : i32
    %dma_wait3A_166 = arith.constant 0 : i32
    %dma_wait3A_167 = arith.constant 0 : i32
    %dma_wait3A_168 = tpu.memref_slice %arg4[%dma_wait3A_164, %dma_wait3A_166, %dma_wait3A_167] : memref<2x56x1024xf32, #tpu.memory_space<vmem>> -> memref<1x56x1024xf32, #tpu.memory_space<vmem>>
    %dma_wait3A_169 = tpu.memref_squeeze %dma_wait3A_168 : memref<1x56x1024xf32, #tpu.memory_space<vmem>> -> memref<56x1024xf32, #tpu.memory_space<vmem>>
    %dma_wait3A_170 = arith.constant 0 : i32
    %dma_wait3A_171 = tpu.memref_slice %arg3[%dma_wait3A_165, %add3A_99, %dma_wait3A_170] : memref<4x8192x1024xf32, #tpu.memory_space<hbm>> -> memref<1x56x1024xf32, #tpu.memory_space<hbm>>
    %dma_wait3A_172 = tpu.memref_squeeze %dma_wait3A_171 : memref<1x56x1024xf32, #tpu.memory_space<hbm>> -> memref<56x1024xf32, #tpu.memory_space<hbm>>
    %dma_wait3A_173 = arith.constant 0 : i32
    %dma_wait3A_174 = tpu.memref_slice %arg3[%dma_wait3A_165, %add3A_99, %dma_wait3A_173] : memref<4x8192x1024xf32, #tpu.memory_space<hbm>> -> memref<1x56x1024xf32, #tpu.memory_space<hbm>>
    %dma_wait3A_175 = tpu.memref_squeeze %dma_wait3A_174 : memref<1x56x1024xf32, #tpu.memory_space<hbm>> -> memref<56x1024xf32, #tpu.memory_space<hbm>>
    %dma_wait3A_176 = arith.constant 0 : i32
    %dma_wait3A_177 = arith.constant 0 : i32
    %dma_wait3A_178 = tpu.memref_slice %arg4[%dma_wait3A_164, %dma_wait3A_176, %dma_wait3A_177] : memref<2x56x1024xf32, #tpu.memory_space<vmem>> -> memref<1x56x1024xf32, #tpu.memory_space<vmem>>
    %dma_wait3A_179 = tpu.memref_squeeze %dma_wait3A_178 : memref<1x56x1024xf32, #tpu.memory_space<vmem>> -> memref<56x1024xf32, #tpu.memory_space<vmem>>
    tpu.wait_dma2 semaphore(%arg6 : memref<!tpu.dma_semaphore, #tpu.memory_space<semaphore_mem>>) src(%dma_wait3A_179 : memref<56x1024xf32, #tpu.memory_space<vmem>>) dst(%dma_wait3A_175 : memref<56x1024xf32, #tpu.memory_space<hbm>>)
    %add3A_180 = arith.constant 112 : i32
    %add3A_181 = arith.addi %mul3A_2, %add3A_180 : i32
    %dma_start3A_182 = arith.constant 0 : i32
    %dma_start3A_183 = arith.constant 0 : i32
    %dma_start3A_184 = arith.constant 0 : i32
    %dma_start3A_185 = tpu.memref_slice %arg4[%dma_start3A_182, %dma_start3A_183, %dma_start3A_184] : memref<2x56x1024xf32, #tpu.memory_space<vmem>> -> memref<1x56x1024xf32, #tpu.memory_space<vmem>>
    %dma_start3A_186 = tpu.memref_squeeze %dma_start3A_185 : memref<1x56x1024xf32, #tpu.memory_space<vmem>> -> memref<56x1024xf32, #tpu.memory_space<vmem>>
    %dma_start3A_187 = arith.constant 0 : i32
    %dma_start3A_188 = tpu.memref_slice %arg2[%add3A_181, %dma_start3A_187] : memref<8192x1024xf32, #tpu.memory_space<hbm>> -> memref<56x1024xf32, #tpu.memory_space<hbm>>
    %dma_start3A_189 = arith.constant 0 : i32
    %dma_start3A_190 = arith.constant 0 : i32
    %dma_start3A_191 = tpu.memref_slice %arg4[%dma_start3A_182, %dma_start3A_189, %dma_start3A_190] : memref<2x56x1024xf32, #tpu.memory_space<vmem>> -> memref<1x56x1024xf32, #tpu.memory_space<vmem>>
    %dma_start3A_192 = tpu.memref_squeeze %dma_start3A_191 : memref<1x56x1024xf32, #tpu.memory_space<vmem>> -> memref<56x1024xf32, #tpu.memory_space<vmem>>
    %dma_start3A_193 = arith.constant 0 : i32
    %dma_start3A_194 = tpu.memref_slice %arg2[%add3A_181, %dma_start3A_193] : memref<8192x1024xf32, #tpu.memory_space<hbm>> -> memref<56x1024xf32, #tpu.memory_space<hbm>>
    tpu.enqueue_dma source(%dma_start3A_194 : memref<56x1024xf32, #tpu.memory_space<hbm>>) target(%dma_start3A_192 : memref<56x1024xf32, #tpu.memory_space<vmem>>) target_semaphore(%arg5 : memref<!tpu.dma_semaphore, #tpu.memory_space<semaphore_mem>>)
    %dma_wait3A_195 = arith.constant 1 : i32
    %dma_wait3A_196 = arith.constant 0 : i32
    %dma_wait3A_197 = arith.constant 0 : i32
    %dma_wait3A_198 = tpu.memref_slice %arg4[%dma_wait3A_195, %dma_wait3A_196, %dma_wait3A_197] : memref<2x56x1024xf32, #tpu.memory_space<vmem>> -> memref<1x56x1024xf32, #tpu.memory_space<vmem>>
    %dma_wait3A_199 = tpu.memref_squeeze %dma_wait3A_198 : memref<1x56x1024xf32, #tpu.memory_space<vmem>> -> memref<56x1024xf32, #tpu.memory_space<vmem>>
    %dma_wait3A_200 = arith.constant 0 : i32
    %dma_wait3A_201 = tpu.memref_slice %arg2[%add3A_18, %dma_wait3A_200] : memref<8192x1024xf32, #tpu.memory_space<hbm>> -> memref<56x1024xf32, #tpu.memory_space<hbm>>
    %dma_wait3A_202 = arith.constant 0 : i32
    %dma_wait3A_203 = arith.constant 0 : i32
    %dma_wait3A_204 = tpu.memref_slice %arg4[%dma_wait3A_195, %dma_wait3A_202, %dma_wait3A_203] : memref<2x56x1024xf32, #tpu.memory_space<vmem>> -> memref<1x56x1024xf32, #tpu.memory_space<vmem>>
    %dma_wait3A_205 = tpu.memref_squeeze %dma_wait3A_204 : memref<1x56x1024xf32, #tpu.memory_space<vmem>> -> memref<56x1024xf32, #tpu.memory_space<vmem>>
    %dma_wait3A_206 = arith.constant 0 : i32
    %dma_wait3A_207 = tpu.memref_slice %arg2[%add3A_18, %dma_wait3A_206] : memref<8192x1024xf32, #tpu.memory_space<hbm>> -> memref<56x1024xf32, #tpu.memory_space<hbm>>
    tpu.wait_dma2 semaphore(%arg5 : memref<!tpu.dma_semaphore, #tpu.memory_space<semaphore_mem>>) src(%dma_wait3A_207 : memref<56x1024xf32, #tpu.memory_space<hbm>>) dst(%dma_wait3A_205 : memref<56x1024xf32, #tpu.memory_space<vmem>>)
    %add3A_208 = arith.constant 56 : i32
    %add3A_209 = arith.addi %mul3A_2, %add3A_208 : i32
    %dma_start3A_210 = arith.constant 1 : i32
    %dma_start3A_211 = arith.constant 0 : i32
    %dma_start3A_212 = arith.constant 0 : i32
    %dma_start3A_213 = arith.constant 0 : i32
    %dma_start3A_214 = tpu.memref_slice %arg4[%dma_start3A_210, %dma_start3A_212, %dma_start3A_213] : memref<2x56x1024xf32, #tpu.memory_space<vmem>> -> memref<1x56x1024xf32, #tpu.memory_space<vmem>>
    %dma_start3A_215 = tpu.memref_squeeze %dma_start3A_214 : memref<1x56x1024xf32, #tpu.memory_space<vmem>> -> memref<56x1024xf32, #tpu.memory_space<vmem>>
    %dma_start3A_216 = arith.constant 0 : i32
    %dma_start3A_217 = tpu.memref_slice %arg3[%dma_start3A_211, %add3A_209, %dma_start3A_216] : memref<4x8192x1024xf32, #tpu.memory_space<hbm>> -> memref<1x56x1024xf32, #tpu.memory_space<hbm>>
    %dma_start3A_218 = tpu.memref_squeeze %dma_start3A_217 : memref<1x56x1024xf32, #tpu.memory_space<hbm>> -> memref<56x1024xf32, #tpu.memory_space<hbm>>
    %dma_start3A_219 = arith.constant 0 : i32
    %dma_start3A_220 = tpu.memref_slice %arg3[%dma_start3A_211, %add3A_209, %dma_start3A_219] : memref<4x8192x1024xf32, #tpu.memory_space<hbm>> -> memref<1x56x1024xf32, #tpu.memory_space<hbm>>
    %dma_start3A_221 = tpu.memref_squeeze %dma_start3A_220 : memref<1x56x1024xf32, #tpu.memory_space<hbm>> -> memref<56x1024xf32, #tpu.memory_space<hbm>>
    %dma_start3A_222 = arith.constant 0 : i32
    %dma_start3A_223 = arith.constant 0 : i32
    %dma_start3A_224 = tpu.memref_slice %arg4[%dma_start3A_210, %dma_start3A_222, %dma_start3A_223] : memref<2x56x1024xf32, #tpu.memory_space<vmem>> -> memref<1x56x1024xf32, #tpu.memory_space<vmem>>
    %dma_start3A_225 = tpu.memref_squeeze %dma_start3A_224 : memref<1x56x1024xf32, #tpu.memory_space<vmem>> -> memref<56x1024xf32, #tpu.memory_space<vmem>>
    tpu.enqueue_dma source(%dma_start3A_225 : memref<56x1024xf32, #tpu.memory_space<vmem>>) target(%dma_start3A_221 : memref<56x1024xf32, #tpu.memory_space<hbm>>) target_semaphore(%arg6 : memref<!tpu.dma_semaphore, #tpu.memory_space<semaphore_mem>>)
    %add3A_226 = arith.constant 56 : i32
    %add3A_227 = arith.addi %mul3A_2, %add3A_226 : i32
    %dma_start3A_228 = arith.constant 1 : i32
    %dma_start3A_229 = arith.constant 1 : i32
    %dma_start3A_230 = arith.constant 0 : i32
    %dma_start3A_231 = arith.constant 0 : i32
    %dma_start3A_232 = tpu.memref_slice %arg4[%dma_start3A_228, %dma_start3A_230, %dma_start3A_231] : memref<2x56x1024xf32, #tpu.memory_space<vmem>> -> memref<1x56x1024xf32, #tpu.memory_space<vmem>>
    %dma_start3A_233 = tpu.memref_squeeze %dma_start3A_232 : memref<1x56x1024xf32, #tpu.memory_space<vmem>> -> memref<56x1024xf32, #tpu.memory_space<vmem>>
    %dma_start3A_234 = arith.constant 0 : i32
    %dma_start3A_235 = tpu.memref_slice %arg3[%dma_start3A_229, %add3A_227, %dma_start3A_234] : memref<4x8192x1024xf32, #tpu.memory_space<hbm>> -> memref<1x56x1024xf32, #tpu.memory_space<hbm>>
    %dma_start3A_236 = tpu.memref_squeeze %dma_start3A_235 : memref<1x56x1024xf32, #tpu.memory_space<hbm>> -> memref<56x1024xf32, #tpu.memory_space<hbm>>
    %dma_start3A_237 = arith.constant 0 : i32
    %dma_start3A_238 = tpu.memref_slice %arg3[%dma_start3A_229, %add3A_227, %dma_start3A_237] : memref<4x8192x1024xf32, #tpu.memory_space<hbm>> -> memref<1x56x1024xf32, #tpu.memory_space<hbm>>
    %dma_start3A_239 = tpu.memref_squeeze %dma_start3A_238 : memref<1x56x1024xf32, #tpu.memory_space<hbm>> -> memref<56x1024xf32, #tpu.memory_space<hbm>>
    %dma_start3A_240 = arith.constant 0 : i32
    %dma_start3A_241 = arith.constant 0 : i32
    %dma_start3A_242 = tpu.memref_slice %arg4[%dma_start3A_228, %dma_start3A_240, %dma_start3A_241] : memref<2x56x1024xf32, #tpu.memory_space<vmem>> -> memref<1x56x1024xf32, #tpu.memory_space<vmem>>
    %dma_start3A_243 = tpu.memref_squeeze %dma_start3A_242 : memref<1x56x1024xf32, #tpu.memory_space<vmem>> -> memref<56x1024xf32, #tpu.memory_space<vmem>>
    tpu.enqueue_dma source(%dma_start3A_243 : memref<56x1024xf32, #tpu.memory_space<vmem>>) target(%dma_start3A_239 : memref<56x1024xf32, #tpu.memory_space<hbm>>) target_semaphore(%arg6 : memref<!tpu.dma_semaphore, #tpu.memory_space<semaphore_mem>>)
    %add3A_244 = arith.constant 56 : i32
    %add3A_245 = arith.addi %mul3A_2, %add3A_244 : i32
    %dma_start3A_246 = arith.constant 1 : i32
    %dma_start3A_247 = arith.constant 2 : i32
    %dma_start3A_248 = arith.constant 0 : i32
    %dma_start3A_249 = arith.constant 0 : i32
    %dma_start3A_250 = tpu.memref_slice %arg4[%dma_start3A_246, %dma_start3A_248, %dma_start3A_249] : memref<2x56x1024xf32, #tpu.memory_space<vmem>> -> memref<1x56x1024xf32, #tpu.memory_space<vmem>>
    %dma_start3A_251 = tpu.memref_squeeze %dma_start3A_250 : memref<1x56x1024xf32, #tpu.memory_space<vmem>> -> memref<56x1024xf32, #tpu.memory_space<vmem>>
    %dma_start3A_252 = arith.constant 0 : i32
    %dma_start3A_253 = tpu.memref_slice %arg3[%dma_start3A_247, %add3A_245, %dma_start3A_252] : memref<4x8192x1024xf32, #tpu.memory_space<hbm>> -> memref<1x56x1024xf32, #tpu.memory_space<hbm>>
    %dma_start3A_254 = tpu.memref_squeeze %dma_start3A_253 : memref<1x56x1024xf32, #tpu.memory_space<hbm>> -> memref<56x1024xf32, #tpu.memory_space<hbm>>
    %dma_start3A_255 = arith.constant 0 : i32
    %dma_start3A_256 = tpu.memref_slice %arg3[%dma_start3A_247, %add3A_245, %dma_start3A_255] : memref<4x8192x1024xf32, #tpu.memory_space<hbm>> -> memref<1x56x1024xf32, #tpu.memory_space<hbm>>
    %dma_start3A_257 = tpu.memref_squeeze %dma_start3A_256 : memref<1x56x1024xf32, #tpu.memory_space<hbm>> -> memref<56x1024xf32, #tpu.memory_space<hbm>>
    %dma_start3A_258 = arith.constant 0 : i32
    %dma_start3A_259 = arith.constant 0 : i32
    %dma_start3A_260 = tpu.memref_slice %arg4[%dma_start3A_246, %dma_start3A_258, %dma_start3A_259] : memref<2x56x1024xf32, #tpu.memory_space<vmem>> -> memref<1x56x1024xf32, #tpu.memory_space<vmem>>
    %dma_start3A_261 = tpu.memref_squeeze %dma_start3A_260 : memref<1x56x1024xf32, #tpu.memory_space<vmem>> -> memref<56x1024xf32, #tpu.memory_space<vmem>>
    tpu.enqueue_dma source(%dma_start3A_261 : memref<56x1024xf32, #tpu.memory_space<vmem>>) target(%dma_start3A_257 : memref<56x1024xf32, #tpu.memory_space<hbm>>) target_semaphore(%arg6 : memref<!tpu.dma_semaphore, #tpu.memory_space<semaphore_mem>>)
    %add3A_262 = arith.constant 56 : i32
    %add3A_263 = arith.addi %mul3A_2, %add3A_262 : i32
    %dma_start3A_264 = arith.constant 1 : i32
    %dma_start3A_265 = arith.constant 3 : i32
    %dma_start3A_266 = arith.constant 0 : i32
    %dma_start3A_267 = arith.constant 0 : i32
    %dma_start3A_268 = tpu.memref_slice %arg4[%dma_start3A_264, %dma_start3A_266, %dma_start3A_267] : memref<2x56x1024xf32, #tpu.memory_space<vmem>> -> memref<1x56x1024xf32, #tpu.memory_space<vmem>>
    %dma_start3A_269 = tpu.memref_squeeze %dma_start3A_268 : memref<1x56x1024xf32, #tpu.memory_space<vmem>> -> memref<56x1024xf32, #tpu.memory_space<vmem>>
    %dma_start3A_270 = arith.constant 0 : i32
    %dma_start3A_271 = tpu.memref_slice %arg3[%dma_start3A_265, %add3A_263, %dma_start3A_270] : memref<4x8192x1024xf32, #tpu.memory_space<hbm>> -> memref<1x56x1024xf32, #tpu.memory_space<hbm>>
    %dma_start3A_272 = tpu.memref_squeeze %dma_start3A_271 : memref<1x56x1024xf32, #tpu.memory_space<hbm>> -> memref<56x1024xf32, #tpu.memory_space<hbm>>
    %dma_start3A_273 = arith.constant 0 : i32
    %dma_start3A_274 = tpu.memref_slice %arg3[%dma_start3A_265, %add3A_263, %dma_start3A_273] : memref<4x8192x1024xf32, #tpu.memory_space<hbm>> -> memref<1x56x1024xf32, #tpu.memory_space<hbm>>
    %dma_start3A_275 = tpu.memref_squeeze %dma_start3A_274 : memref<1x56x1024xf32, #tpu.memory_space<hbm>> -> memref<56x1024xf32, #tpu.memory_space<hbm>>
    %dma_start3A_276 = arith.constant 0 : i32
    %dma_start3A_277 = arith.constant 0 : i32
    %dma_start3A_278 = tpu.memref_slice %arg4[%dma_start3A_264, %dma_start3A_276, %dma_start3A_277] : memref<2x56x1024xf32, #tpu.memory_space<vmem>> -> memref<1x56x1024xf32, #tpu.memory_space<vmem>>
    %dma_start3A_279 = tpu.memref_squeeze %dma_start3A_278 : memref<1x56x1024xf32, #tpu.memory_space<vmem>> -> memref<56x1024xf32, #tpu.memory_space<vmem>>
    tpu.enqueue_dma source(%dma_start3A_279 : memref<56x1024xf32, #tpu.memory_space<vmem>>) target(%dma_start3A_275 : memref<56x1024xf32, #tpu.memory_space<hbm>>) target_semaphore(%arg6 : memref<!tpu.dma_semaphore, #tpu.memory_space<semaphore_mem>>)
    %dma_wait3A_280 = arith.constant 1 : i32
    %dma_wait3A_281 = arith.constant 0 : i32
    %dma_wait3A_282 = arith.constant 0 : i32
    %dma_wait3A_283 = arith.constant 0 : i32
    %dma_wait3A_284 = tpu.memref_slice %arg4[%dma_wait3A_280, %dma_wait3A_282, %dma_wait3A_283] : memref<2x56x1024xf32, #tpu.memory_space<vmem>> -> memref<1x56x1024xf32, #tpu.memory_space<vmem>>
    %dma_wait3A_285 = tpu.memref_squeeze %dma_wait3A_284 : memref<1x56x1024xf32, #tpu.memory_space<vmem>> -> memref<56x1024xf32, #tpu.memory_space<vmem>>
    %dma_wait3A_286 = arith.constant 0 : i32
    %dma_wait3A_287 = tpu.memref_slice %arg3[%dma_wait3A_281, %add3A_209, %dma_wait3A_286] : memref<4x8192x1024xf32, #tpu.memory_space<hbm>> -> memref<1x56x1024xf32, #tpu.memory_space<hbm>>
    %dma_wait3A_288 = tpu.memref_squeeze %dma_wait3A_287 : memref<1x56x1024xf32, #tpu.memory_space<hbm>> -> memref<56x1024xf32, #tpu.memory_space<hbm>>
    %dma_wait3A_289 = arith.constant 0 : i32
    %dma_wait3A_290 = tpu.memref_slice %arg3[%dma_wait3A_281, %add3A_209, %dma_wait3A_289] : memref<4x8192x1024xf32, #tpu.memory_space<hbm>> -> memref<1x56x1024xf32, #tpu.memory_space<hbm>>
    %dma_wait3A_291 = tpu.memref_squeeze %dma_wait3A_290 : memref<1x56x1024xf32, #tpu.memory_space<hbm>> -> memref<56x1024xf32, #tpu.memory_space<hbm>>
    %dma_wait3A_292 = arith.constant 0 : i32
    %dma_wait3A_293 = arith.constant 0 : i32
    %dma_wait3A_294 = tpu.memref_slice %arg4[%dma_wait3A_280, %dma_wait3A_292, %dma_wait3A_293] : memref<2x56x1024xf32, #tpu.memory_space<vmem>> -> memref<1x56x1024xf32, #tpu.memory_space<vmem>>
    %dma_wait3A_295 = tpu.memref_squeeze %dma_wait3A_294 : memref<1x56x1024xf32, #tpu.memory_space<vmem>> -> memref<56x1024xf32, #tpu.memory_space<vmem>>
    tpu.wait_dma2 semaphore(%arg6 : memref<!tpu.dma_semaphore, #tpu.memory_space<semaphore_mem>>) src(%dma_wait3A_295 : memref<56x1024xf32, #tpu.memory_space<vmem>>) dst(%dma_wait3A_291 : memref<56x1024xf32, #tpu.memory_space<hbm>>)
    %dma_wait3A_296 = arith.constant 1 : i32
    %dma_wait3A_297 = arith.constant 1 : i32
    %dma_wait3A_298 = arith.constant 0 : i32
    %dma_wait3A_299 = arith.constant 0 : i32
    %dma_wait3A_300 = tpu.memref_slice %arg4[%dma_wait3A_296, %dma_wait3A_298, %dma_wait3A_299] : memref<2x56x1024xf32, #tpu.memory_space<vmem>> -> memref<1x56x1024xf32, #tpu.memory_space<vmem>>
    %dma_wait3A_301 = tpu.memref_squeeze %dma_wait3A_300 : memref<1x56x1024xf32, #tpu.memory_space<vmem>> -> memref<56x1024xf32, #tpu.memory_space<vmem>>
    %dma_wait3A_302 = arith.constant 0 : i32
    %dma_wait3A_303 = tpu.memref_slice %arg3[%dma_wait3A_297, %add3A_227, %dma_wait3A_302] : memref<4x8192x1024xf32, #tpu.memory_space<hbm>> -> memref<1x56x1024xf32, #tpu.memory_space<hbm>>
    %dma_wait3A_304 = tpu.memref_squeeze %dma_wait3A_303 : memref<1x56x1024xf32, #tpu.memory_space<hbm>> -> memref<56x1024xf32, #tpu.memory_space<hbm>>
    %dma_wait3A_305 = arith.constant 0 : i32
    %dma_wait3A_306 = tpu.memref_slice %arg3[%dma_wait3A_297, %add3A_227, %dma_wait3A_305] : memref<4x8192x1024xf32, #tpu.memory_space<hbm>> -> memref<1x56x1024xf32, #tpu.memory_space<hbm>>
    %dma_wait3A_307 = tpu.memref_squeeze %dma_wait3A_306 : memref<1x56x1024xf32, #tpu.memory_space<hbm>> -> memref<56x1024xf32, #tpu.memory_space<hbm>>
    %dma_wait3A_308 = arith.constant 0 : i32
    %dma_wait3A_309 = arith.constant 0 : i32
    %dma_wait3A_310 = tpu.memref_slice %arg4[%dma_wait3A_296, %dma_wait3A_308, %dma_wait3A_309] : memref<2x56x1024xf32, #tpu.memory_space<vmem>> -> memref<1x56x1024xf32, #tpu.memory_space<vmem>>
    %dma_wait3A_311 = tpu.memref_squeeze %dma_wait3A_310 : memref<1x56x1024xf32, #tpu.memory_space<vmem>> -> memref<56x1024xf32, #tpu.memory_space<vmem>>
    tpu.wait_dma2 semaphore(%arg6 : memref<!tpu.dma_semaphore, #tpu.memory_space<semaphore_mem>>) src(%dma_wait3A_311 : memref<56x1024xf32, #tpu.memory_space<vmem>>) dst(%dma_wait3A_307 : memref<56x1024xf32, #tpu.memory_space<hbm>>)
    %dma_wait3A_312 = arith.constant 1 : i32
    %dma_wait3A_313 = arith.constant 2 : i32
    %dma_wait3A_314 = arith.constant 0 : i32
    %dma_wait3A_315 = arith.constant 0 : i32
    %dma_wait3A_316 = tpu.memref_slice %arg4[%dma_wait3A_312, %dma_wait3A_314, %dma_wait3A_315] : memref<2x56x1024xf32, #tpu.memory_space<vmem>> -> memref<1x56x1024xf32, #tpu.memory_space<vmem>>
    %dma_wait3A_317 = tpu.memref_squeeze %dma_wait3A_316 : memref<1x56x1024xf32, #tpu.memory_space<vmem>> -> memref<56x1024xf32, #tpu.memory_space<vmem>>
    %dma_wait3A_318 = arith.constant 0 : i32
    %dma_wait3A_319 = tpu.memref_slice %arg3[%dma_wait3A_313, %add3A_245, %dma_wait3A_318] : memref<4x8192x1024xf32, #tpu.memory_space<hbm>> -> memref<1x56x1024xf32, #tpu.memory_space<hbm>>
    %dma_wait3A_320 = tpu.memref_squeeze %dma_wait3A_319 : memref<1x56x1024xf32, #tpu.memory_space<hbm>> -> memref<56x1024xf32, #tpu.memory_space<hbm>>
    %dma_wait3A_321 = arith.constant 0 : i32
    %dma_wait3A_322 = tpu.memref_slice %arg3[%dma_wait3A_313, %add3A_245, %dma_wait3A_321] : memref<4x8192x1024xf32, #tpu.memory_space<hbm>> -> memref<1x56x1024xf32, #tpu.memory_space<hbm>>
    %dma_wait3A_323 = tpu.memref_squeeze %dma_wait3A_322 : memref<1x56x1024xf32, #tpu.memory_space<hbm>> -> memref<56x1024xf32, #tpu.memory_space<hbm>>
    %dma_wait3A_324 = arith.constant 0 : i32
    %dma_wait3A_325 = arith.constant 0 : i32
    %dma_wait3A_326 = tpu.memref_slice %arg4[%dma_wait3A_312, %dma_wait3A_324, %dma_wait3A_325] : memref<2x56x1024xf32, #tpu.memory_space<vmem>> -> memref<1x56x1024xf32, #tpu.memory_space<vmem>>
    %dma_wait3A_327 = tpu.memref_squeeze %dma_wait3A_326 : memref<1x56x1024xf32, #tpu.memory_space<vmem>> -> memref<56x1024xf32, #tpu.memory_space<vmem>>
    tpu.wait_dma2 semaphore(%arg6 : memref<!tpu.dma_semaphore, #tpu.memory_space<semaphore_mem>>) src(%dma_wait3A_327 : memref<56x1024xf32, #tpu.memory_space<vmem>>) dst(%dma_wait3A_323 : memref<56x1024xf32, #tpu.memory_space<hbm>>)
    %dma_wait3A_328 = arith.constant 1 : i32
    %dma_wait3A_329 = arith.constant 3 : i32
    %dma_wait3A_330 = arith.constant 0 : i32
    %dma_wait3A_331 = arith.constant 0 : i32
    %dma_wait3A_332 = tpu.memref_slice %arg4[%dma_wait3A_328, %dma_wait3A_330, %dma_wait3A_331] : memref<2x56x1024xf32, #tpu.memory_space<vmem>> -> memref<1x56x1024xf32, #tpu.memory_space<vmem>>
    %dma_wait3A_333 = tpu.memref_squeeze %dma_wait3A_332 : memref<1x56x1024xf32, #tpu.memory_space<vmem>> -> memref<56x1024xf32, #tpu.memory_space<vmem>>
    %dma_wait3A_334 = arith.constant 0 : i32
    %dma_wait3A_335 = tpu.memref_slice %arg3[%dma_wait3A_329, %add3A_263, %dma_wait3A_334] : memref<4x8192x1024xf32, #tpu.memory_space<hbm>> -> memref<1x56x1024xf32, #tpu.memory_space<hbm>>
    %dma_wait3A_336 = tpu.memref_squeeze %dma_wait3A_335 : memref<1x56x1024xf32, #tpu.memory_space<hbm>> -> memref<56x1024xf32, #tpu.memory_space<hbm>>
    %dma_wait3A_337 = arith.constant 0 : i32
    %dma_wait3A_338 = tpu.memref_slice %arg3[%dma_wait3A_329, %add3A_263, %dma_wait3A_337] : memref<4x8192x1024xf32, #tpu.memory_space<hbm>> -> memref<1x56x1024xf32, #tpu.memory_space<hbm>>
    %dma_wait3A_339 = tpu.memref_squeeze %dma_wait3A_338 : memref<1x56x1024xf32, #tpu.memory_space<hbm>> -> memref<56x1024xf32, #tpu.memory_space<hbm>>
    %dma_wait3A_340 = arith.constant 0 : i32
    %dma_wait3A_341 = arith.constant 0 : i32
    %dma_wait3A_342 = tpu.memref_slice %arg4[%dma_wait3A_328, %dma_wait3A_340, %dma_wait3A_341] : memref<2x56x1024xf32, #tpu.memory_space<vmem>> -> memref<1x56x1024xf32, #tpu.memory_space<vmem>>
    %dma_wait3A_343 = tpu.memref_squeeze %dma_wait3A_342 : memref<1x56x1024xf32, #tpu.memory_space<vmem>> -> memref<56x1024xf32, #tpu.memory_space<vmem>>
    tpu.wait_dma2 semaphore(%arg6 : memref<!tpu.dma_semaphore, #tpu.memory_space<semaphore_mem>>) src(%dma_wait3A_343 : memref<56x1024xf32, #tpu.memory_space<vmem>>) dst(%dma_wait3A_339 : memref<56x1024xf32, #tpu.memory_space<hbm>>)
    %add3A_344 = arith.constant 168 : i32
    %add3A_345 = arith.addi %mul3A_2, %add3A_344 : i32
    %dma_start3A_346 = arith.constant 1 : i32
    %dma_start3A_347 = arith.constant 0 : i32
    %dma_start3A_348 = arith.constant 0 : i32
    %dma_start3A_349 = tpu.memref_slice %arg4[%dma_start3A_346, %dma_start3A_347, %dma_start3A_348] : memref<2x56x1024xf32, #tpu.memory_space<vmem>> -> memref<1x56x1024xf32, #tpu.memory_space<vmem>>
    %dma_start3A_350 = tpu.memref_squeeze %dma_start3A_349 : memref<1x56x1024xf32, #tpu.memory_space<vmem>> -> memref<56x1024xf32, #tpu.memory_space<vmem>>
    %dma_start3A_351 = arith.constant 0 : i32
    %dma_start3A_352 = tpu.memref_slice %arg2[%add3A_345, %dma_start3A_351] : memref<8192x1024xf32, #tpu.memory_space<hbm>> -> memref<56x1024xf32, #tpu.memory_space<hbm>>
    %dma_start3A_353 = arith.constant 0 : i32
    %dma_start3A_354 = arith.constant 0 : i32
    %dma_start3A_355 = tpu.memref_slice %arg4[%dma_start3A_346, %dma_start3A_353, %dma_start3A_354] : memref<2x56x1024xf32, #tpu.memory_space<vmem>> -> memref<1x56x1024xf32, #tpu.memory_space<vmem>>
    %dma_start3A_356 = tpu.memref_squeeze %dma_start3A_355 : memref<1x56x1024xf32, #tpu.memory_space<vmem>> -> memref<56x1024xf32, #tpu.memory_space<vmem>>
    %dma_start3A_357 = arith.constant 0 : i32
    %dma_start3A_358 = tpu.memref_slice %arg2[%add3A_345, %dma_start3A_357] : memref<8192x1024xf32, #tpu.memory_space<hbm>> -> memref<56x1024xf32, #tpu.memory_space<hbm>>
    tpu.enqueue_dma source(%dma_start3A_358 : memref<56x1024xf32, #tpu.memory_space<hbm>>) target(%dma_start3A_356 : memref<56x1024xf32, #tpu.memory_space<vmem>>) target_semaphore(%arg5 : memref<!tpu.dma_semaphore, #tpu.memory_space<semaphore_mem>>)
    %dma_wait3A_359 = arith.constant 0 : i32
    %dma_wait3A_360 = arith.constant 0 : i32
    %dma_wait3A_361 = arith.constant 0 : i32
    %dma_wait3A_362 = tpu.memref_slice %arg4[%dma_wait3A_359, %dma_wait3A_360, %dma_wait3A_361] : memref<2x56x1024xf32, #tpu.memory_space<vmem>> -> memref<1x56x1024xf32, #tpu.memory_space<vmem>>
    %dma_wait3A_363 = tpu.memref_squeeze %dma_wait3A_362 : memref<1x56x1024xf32, #tpu.memory_space<vmem>> -> memref<56x1024xf32, #tpu.memory_space<vmem>>
    %dma_wait3A_364 = arith.constant 0 : i32
    %dma_wait3A_365 = tpu.memref_slice %arg2[%add3A_181, %dma_wait3A_364] : memref<8192x1024xf32, #tpu.memory_space<hbm>> -> memref<56x1024xf32, #tpu.memory_space<hbm>>
    %dma_wait3A_366 = arith.constant 0 : i32
    %dma_wait3A_367 = arith.constant 0 : i32
    %dma_wait3A_368 = tpu.memref_slice %arg4[%dma_wait3A_359, %dma_wait3A_366, %dma_wait3A_367] : memref<2x56x1024xf32, #tpu.memory_space<vmem>> -> memref<1x56x1024xf32, #tpu.memory_space<vmem>>
    %dma_wait3A_369 = tpu.memref_squeeze %dma_wait3A_368 : memref<1x56x1024xf32, #tpu.memory_space<vmem>> -> memref<56x1024xf32, #tpu.memory_space<vmem>>
    %dma_wait3A_370 = arith.constant 0 : i32
    %dma_wait3A_371 = tpu.memref_slice %arg2[%add3A_181, %dma_wait3A_370] : memref<8192x1024xf32, #tpu.memory_space<hbm>> -> memref<56x1024xf32, #tpu.memory_space<hbm>>
    tpu.wait_dma2 semaphore(%arg5 : memref<!tpu.dma_semaphore, #tpu.memory_space<semaphore_mem>>) src(%dma_wait3A_371 : memref<56x1024xf32, #tpu.memory_space<hbm>>) dst(%dma_wait3A_369 : memref<56x1024xf32, #tpu.memory_space<vmem>>)
    %add3A_372 = arith.constant 112 : i32
    %add3A_373 = arith.addi %mul3A_2, %add3A_372 : i32
    %dma_start3A_374 = arith.constant 0 : i32
    %dma_start3A_375 = arith.constant 0 : i32
    %dma_start3A_376 = arith.constant 0 : i32
    %dma_start3A_377 = arith.constant 0 : i32
    %dma_start3A_378 = tpu.memref_slice %arg4[%dma_start3A_374, %dma_start3A_376, %dma_start3A_377] : memref<2x56x1024xf32, #tpu.memory_space<vmem>> -> memref<1x56x1024xf32, #tpu.memory_space<vmem>>
    %dma_start3A_379 = tpu.memref_squeeze %dma_start3A_378 : memref<1x56x1024xf32, #tpu.memory_space<vmem>> -> memref<56x1024xf32, #tpu.memory_space<vmem>>
    %dma_start3A_380 = arith.constant 0 : i32
    %dma_start3A_381 = tpu.memref_slice %arg3[%dma_start3A_375, %add3A_373, %dma_start3A_380] : memref<4x8192x1024xf32, #tpu.memory_space<hbm>> -> memref<1x56x1024xf32, #tpu.memory_space<hbm>>
    %dma_start3A_382 = tpu.memref_squeeze %dma_start3A_381 : memref<1x56x1024xf32, #tpu.memory_space<hbm>> -> memref<56x1024xf32, #tpu.memory_space<hbm>>
    %dma_start3A_383 = arith.constant 0 : i32
    %dma_start3A_384 = tpu.memref_slice %arg3[%dma_start3A_375, %add3A_373, %dma_start3A_383] : memref<4x8192x1024xf32, #tpu.memory_space<hbm>> -> memref<1x56x1024xf32, #tpu.memory_space<hbm>>
    %dma_start3A_385 = tpu.memref_squeeze %dma_start3A_384 : memref<1x56x1024xf32, #tpu.memory_space<hbm>> -> memref<56x1024xf32, #tpu.memory_space<hbm>>
    %dma_start3A_386 = arith.constant 0 : i32
    %dma_start3A_387 = arith.constant 0 : i32
    %dma_start3A_388 = tpu.memref_slice %arg4[%dma_start3A_374, %dma_start3A_386, %dma_start3A_387] : memref<2x56x1024xf32, #tpu.memory_space<vmem>> -> memref<1x56x1024xf32, #tpu.memory_space<vmem>>
    %dma_start3A_389 = tpu.memref_squeeze %dma_start3A_388 : memref<1x56x1024xf32, #tpu.memory_space<vmem>> -> memref<56x1024xf32, #tpu.memory_space<vmem>>
    tpu.enqueue_dma source(%dma_start3A_389 : memref<56x1024xf32, #tpu.memory_space<vmem>>) target(%dma_start3A_385 : memref<56x1024xf32, #tpu.memory_space<hbm>>) target_semaphore(%arg6 : memref<!tpu.dma_semaphore, #tpu.memory_space<semaphore_mem>>)
    %add3A_390 = arith.constant 112 : i32
    %add3A_391 = arith.addi %mul3A_2, %add3A_390 : i32
    %dma_start3A_392 = arith.constant 0 : i32
    %dma_start3A_393 = arith.constant 1 : i32
    %dma_start3A_394 = arith.constant 0 : i32
    %dma_start3A_395 = arith.constant 0 : i32
    %dma_start3A_396 = tpu.memref_slice %arg4[%dma_start3A_392, %dma_start3A_394, %dma_start3A_395] : memref<2x56x1024xf32, #tpu.memory_space<vmem>> -> memref<1x56x1024xf32, #tpu.memory_space<vmem>>
    %dma_start3A_397 = tpu.memref_squeeze %dma_start3A_396 : memref<1x56x1024xf32, #tpu.memory_space<vmem>> -> memref<56x1024xf32, #tpu.memory_space<vmem>>
    %dma_start3A_398 = arith.constant 0 : i32
    %dma_start3A_399 = tpu.memref_slice %arg3[%dma_start3A_393, %add3A_391, %dma_start3A_398] : memref<4x8192x1024xf32, #tpu.memory_space<hbm>> -> memref<1x56x1024xf32, #tpu.memory_space<hbm>>
    %dma_start3A_400 = tpu.memref_squeeze %dma_start3A_399 : memref<1x56x1024xf32, #tpu.memory_space<hbm>> -> memref<56x1024xf32, #tpu.memory_space<hbm>>
    %dma_start3A_401 = arith.constant 0 : i32
    %dma_start3A_402 = tpu.memref_slice %arg3[%dma_start3A_393, %add3A_391, %dma_start3A_401] : memref<4x8192x1024xf32, #tpu.memory_space<hbm>> -> memref<1x56x1024xf32, #tpu.memory_space<hbm>>
    %dma_start3A_403 = tpu.memref_squeeze %dma_start3A_402 : memref<1x56x1024xf32, #tpu.memory_space<hbm>> -> memref<56x1024xf32, #tpu.memory_space<hbm>>
    %dma_start3A_404 = arith.constant 0 : i32
    %dma_start3A_405 = arith.constant 0 : i32
    %dma_start3A_406 = tpu.memref_slice %arg4[%dma_start3A_392, %dma_start3A_404, %dma_start3A_405] : memref<2x56x1024xf32, #tpu.memory_space<vmem>> -> memref<1x56x1024xf32, #tpu.memory_space<vmem>>
    %dma_start3A_407 = tpu.memref_squeeze %dma_start3A_406 : memref<1x56x1024xf32, #tpu.memory_space<vmem>> -> memref<56x1024xf32, #tpu.memory_space<vmem>>
    tpu.enqueue_dma source(%dma_start3A_407 : memref<56x1024xf32, #tpu.memory_space<vmem>>) target(%dma_start3A_403 : memref<56x1024xf32, #tpu.memory_space<hbm>>) target_semaphore(%arg6 : memref<!tpu.dma_semaphore, #tpu.memory_space<semaphore_mem>>)
    %add3A_408 = arith.constant 112 : i32
    %add3A_409 = arith.addi %mul3A_2, %add3A_408 : i32
    %dma_start3A_410 = arith.constant 0 : i32
    %dma_start3A_411 = arith.constant 2 : i32
    %dma_start3A_412 = arith.constant 0 : i32
    %dma_start3A_413 = arith.constant 0 : i32
    %dma_start3A_414 = tpu.memref_slice %arg4[%dma_start3A_410, %dma_start3A_412, %dma_start3A_413] : memref<2x56x1024xf32, #tpu.memory_space<vmem>> -> memref<1x56x1024xf32, #tpu.memory_space<vmem>>
    %dma_start3A_415 = tpu.memref_squeeze %dma_start3A_414 : memref<1x56x1024xf32, #tpu.memory_space<vmem>> -> memref<56x1024xf32, #tpu.memory_space<vmem>>
    %dma_start3A_416 = arith.constant 0 : i32
    %dma_start3A_417 = tpu.memref_slice %arg3[%dma_start3A_411, %add3A_409, %dma_start3A_416] : memref<4x8192x1024xf32, #tpu.memory_space<hbm>> -> memref<1x56x1024xf32, #tpu.memory_space<hbm>>
    %dma_start3A_418 = tpu.memref_squeeze %dma_start3A_417 : memref<1x56x1024xf32, #tpu.memory_space<hbm>> -> memref<56x1024xf32, #tpu.memory_space<hbm>>
    %dma_start3A_419 = arith.constant 0 : i32
    %dma_start3A_420 = tpu.memref_slice %arg3[%dma_start3A_411, %add3A_409, %dma_start3A_419] : memref<4x8192x1024xf32, #tpu.memory_space<hbm>> -> memref<1x56x1024xf32, #tpu.memory_space<hbm>>
    %dma_start3A_421 = tpu.memref_squeeze %dma_start3A_420 : memref<1x56x1024xf32, #tpu.memory_space<hbm>> -> memref<56x1024xf32, #tpu.memory_space<hbm>>
    %dma_start3A_422 = arith.constant 0 : i32
    %dma_start3A_423 = arith.constant 0 : i32
    %dma_start3A_424 = tpu.memref_slice %arg4[%dma_start3A_410, %dma_start3A_422, %dma_start3A_423] : memref<2x56x1024xf32, #tpu.memory_space<vmem>> -> memref<1x56x1024xf32, #tpu.memory_space<vmem>>
    %dma_start3A_425 = tpu.memref_squeeze %dma_start3A_424 : memref<1x56x1024xf32, #tpu.memory_space<vmem>> -> memref<56x1024xf32, #tpu.memory_space<vmem>>
    tpu.enqueue_dma source(%dma_start3A_425 : memref<56x1024xf32, #tpu.memory_space<vmem>>) target(%dma_start3A_421 : memref<56x1024xf32, #tpu.memory_space<hbm>>) target_semaphore(%arg6 : memref<!tpu.dma_semaphore, #tpu.memory_space<semaphore_mem>>)
    %add3A_426 = arith.constant 112 : i32
    %add3A_427 = arith.addi %mul3A_2, %add3A_426 : i32
    %dma_start3A_428 = arith.constant 0 : i32
    %dma_start3A_429 = arith.constant 3 : i32
    %dma_start3A_430 = arith.constant 0 : i32
    %dma_start3A_431 = arith.constant 0 : i32
    %dma_start3A_432 = tpu.memref_slice %arg4[%dma_start3A_428, %dma_start3A_430, %dma_start3A_431] : memref<2x56x1024xf32, #tpu.memory_space<vmem>> -> memref<1x56x1024xf32, #tpu.memory_space<vmem>>
    %dma_start3A_433 = tpu.memref_squeeze %dma_start3A_432 : memref<1x56x1024xf32, #tpu.memory_space<vmem>> -> memref<56x1024xf32, #tpu.memory_space<vmem>>
    %dma_start3A_434 = arith.constant 0 : i32
    %dma_start3A_435 = tpu.memref_slice %arg3[%dma_start3A_429, %add3A_427, %dma_start3A_434] : memref<4x8192x1024xf32, #tpu.memory_space<hbm>> -> memref<1x56x1024xf32, #tpu.memory_space<hbm>>
    %dma_start3A_436 = tpu.memref_squeeze %dma_start3A_435 : memref<1x56x1024xf32, #tpu.memory_space<hbm>> -> memref<56x1024xf32, #tpu.memory_space<hbm>>
    %dma_start3A_437 = arith.constant 0 : i32
    %dma_start3A_438 = tpu.memref_slice %arg3[%dma_start3A_429, %add3A_427, %dma_start3A_437] : memref<4x8192x1024xf32, #tpu.memory_space<hbm>> -> memref<1x56x1024xf32, #tpu.memory_space<hbm>>
    %dma_start3A_439 = tpu.memref_squeeze %dma_start3A_438 : memref<1x56x1024xf32, #tpu.memory_space<hbm>> -> memref<56x1024xf32, #tpu.memory_space<hbm>>
    %dma_start3A_440 = arith.constant 0 : i32
    %dma_start3A_441 = arith.constant 0 : i32
    %dma_start3A_442 = tpu.memref_slice %arg4[%dma_start3A_428, %dma_start3A_440, %dma_start3A_441] : memref<2x56x1024xf32, #tpu.memory_space<vmem>> -> memref<1x56x1024xf32, #tpu.memory_space<vmem>>
    %dma_start3A_443 = tpu.memref_squeeze %dma_start3A_442 : memref<1x56x1024xf32, #tpu.memory_space<vmem>> -> memref<56x1024xf32, #tpu.memory_space<vmem>>
    tpu.enqueue_dma source(%dma_start3A_443 : memref<56x1024xf32, #tpu.memory_space<vmem>>) target(%dma_start3A_439 : memref<56x1024xf32, #tpu.memory_space<hbm>>) target_semaphore(%arg6 : memref<!tpu.dma_semaphore, #tpu.memory_space<semaphore_mem>>)
    %dma_wait3A_444 = arith.constant 0 : i32
    %dma_wait3A_445 = arith.constant 0 : i32
    %dma_wait3A_446 = arith.constant 0 : i32
    %dma_wait3A_447 = arith.constant 0 : i32
    %dma_wait3A_448 = tpu.memref_slice %arg4[%dma_wait3A_444, %dma_wait3A_446, %dma_wait3A_447] : memref<2x56x1024xf32, #tpu.memory_space<vmem>> -> memref<1x56x1024xf32, #tpu.memory_space<vmem>>
    %dma_wait3A_449 = tpu.memref_squeeze %dma_wait3A_448 : memref<1x56x1024xf32, #tpu.memory_space<vmem>> -> memref<56x1024xf32, #tpu.memory_space<vmem>>
    %dma_wait3A_450 = arith.constant 0 : i32
    %dma_wait3A_451 = tpu.memref_slice %arg3[%dma_wait3A_445, %add3A_373, %dma_wait3A_450] : memref<4x8192x1024xf32, #tpu.memory_space<hbm>> -> memref<1x56x1024xf32, #tpu.memory_space<hbm>>
    %dma_wait3A_452 = tpu.memref_squeeze %dma_wait3A_451 : memref<1x56x1024xf32, #tpu.memory_space<hbm>> -> memref<56x1024xf32, #tpu.memory_space<hbm>>
    %dma_wait3A_453 = arith.constant 0 : i32
    %dma_wait3A_454 = tpu.memref_slice %arg3[%dma_wait3A_445, %add3A_373, %dma_wait3A_453] : memref<4x8192x1024xf32, #tpu.memory_space<hbm>> -> memref<1x56x1024xf32, #tpu.memory_space<hbm>>
    %dma_wait3A_455 = tpu.memref_squeeze %dma_wait3A_454 : memref<1x56x1024xf32, #tpu.memory_space<hbm>> -> memref<56x1024xf32, #tpu.memory_space<hbm>>
    %dma_wait3A_456 = arith.constant 0 : i32
    %dma_wait3A_457 = arith.constant 0 : i32
    %dma_wait3A_458 = tpu.memref_slice %arg4[%dma_wait3A_444, %dma_wait3A_456, %dma_wait3A_457] : memref<2x56x1024xf32, #tpu.memory_space<vmem>> -> memref<1x56x1024xf32, #tpu.memory_space<vmem>>
    %dma_wait3A_459 = tpu.memref_squeeze %dma_wait3A_458 : memref<1x56x1024xf32, #tpu.memory_space<vmem>> -> memref<56x1024xf32, #tpu.memory_space<vmem>>
    tpu.wait_dma2 semaphore(%arg6 : memref<!tpu.dma_semaphore, #tpu.memory_space<semaphore_mem>>) src(%dma_wait3A_459 : memref<56x1024xf32, #tpu.memory_space<vmem>>) dst(%dma_wait3A_455 : memref<56x1024xf32, #tpu.memory_space<hbm>>)
    %dma_wait3A_460 = arith.constant 0 : i32
    %dma_wait3A_461 = arith.constant 1 : i32
    %dma_wait3A_462 = arith.constant 0 : i32
    %dma_wait3A_463 = arith.constant 0 : i32
    %dma_wait3A_464 = tpu.memref_slice %arg4[%dma_wait3A_460, %dma_wait3A_462, %dma_wait3A_463] : memref<2x56x1024xf32, #tpu.memory_space<vmem>> -> memref<1x56x1024xf32, #tpu.memory_space<vmem>>
    %dma_wait3A_465 = tpu.memref_squeeze %dma_wait3A_464 : memref<1x56x1024xf32, #tpu.memory_space<vmem>> -> memref<56x1024xf32, #tpu.memory_space<vmem>>
    %dma_wait3A_466 = arith.constant 0 : i32
    %dma_wait3A_467 = tpu.memref_slice %arg3[%dma_wait3A_461, %add3A_391, %dma_wait3A_466] : memref<4x8192x1024xf32, #tpu.memory_space<hbm>> -> memref<1x56x1024xf32, #tpu.memory_space<hbm>>
    %dma_wait3A_468 = tpu.memref_squeeze %dma_wait3A_467 : memref<1x56x1024xf32, #tpu.memory_space<hbm>> -> memref<56x1024xf32, #tpu.memory_space<hbm>>
    %dma_wait3A_469 = arith.constant 0 : i32
    %dma_wait3A_470 = tpu.memref_slice %arg3[%dma_wait3A_461, %add3A_391, %dma_wait3A_469] : memref<4x8192x1024xf32, #tpu.memory_space<hbm>> -> memref<1x56x1024xf32, #tpu.memory_space<hbm>>
    %dma_wait3A_471 = tpu.memref_squeeze %dma_wait3A_470 : memref<1x56x1024xf32, #tpu.memory_space<hbm>> -> memref<56x1024xf32, #tpu.memory_space<hbm>>
    %dma_wait3A_472 = arith.constant 0 : i32
    %dma_wait3A_473 = arith.constant 0 : i32
    %dma_wait3A_474 = tpu.memref_slice %arg4[%dma_wait3A_460, %dma_wait3A_472, %dma_wait3A_473] : memref<2x56x1024xf32, #tpu.memory_space<vmem>> -> memref<1x56x1024xf32, #tpu.memory_space<vmem>>
    %dma_wait3A_475 = tpu.memref_squeeze %dma_wait3A_474 : memref<1x56x1024xf32, #tpu.memory_space<vmem>> -> memref<56x1024xf32, #tpu.memory_space<vmem>>
    tpu.wait_dma2 semaphore(%arg6 : memref<!tpu.dma_semaphore, #tpu.memory_space<semaphore_mem>>) src(%dma_wait3A_475 : memref<56x1024xf32, #tpu.memory_space<vmem>>) dst(%dma_wait3A_471 : memref<56x1024xf32, #tpu.memory_space<hbm>>)
    %dma_wait3A_476 = arith.constant 0 : i32
    %dma_wait3A_477 = arith.constant 2 : i32
    %dma_wait3A_478 = arith.constant 0 : i32
    %dma_wait3A_479 = arith.constant 0 : i32
    %dma_wait3A_480 = tpu.memref_slice %arg4[%dma_wait3A_476, %dma_wait3A_478, %dma_wait3A_479] : memref<2x56x1024xf32, #tpu.memory_space<vmem>> -> memref<1x56x1024xf32, #tpu.memory_space<vmem>>
    %dma_wait3A_481 = tpu.memref_squeeze %dma_wait3A_480 : memref<1x56x1024xf32, #tpu.memory_space<vmem>> -> memref<56x1024xf32, #tpu.memory_space<vmem>>
    %dma_wait3A_482 = arith.constant 0 : i32
    %dma_wait3A_483 = tpu.memref_slice %arg3[%dma_wait3A_477, %add3A_409, %dma_wait3A_482] : memref<4x8192x1024xf32, #tpu.memory_space<hbm>> -> memref<1x56x1024xf32, #tpu.memory_space<hbm>>
    %dma_wait3A_484 = tpu.memref_squeeze %dma_wait3A_483 : memref<1x56x1024xf32, #tpu.memory_space<hbm>> -> memref<56x1024xf32, #tpu.memory_space<hbm>>
    %dma_wait3A_485 = arith.constant 0 : i32
    %dma_wait3A_486 = tpu.memref_slice %arg3[%dma_wait3A_477, %add3A_409, %dma_wait3A_485] : memref<4x8192x1024xf32, #tpu.memory_space<hbm>> -> memref<1x56x1024xf32, #tpu.memory_space<hbm>>
    %dma_wait3A_487 = tpu.memref_squeeze %dma_wait3A_486 : memref<1x56x1024xf32, #tpu.memory_space<hbm>> -> memref<56x1024xf32, #tpu.memory_space<hbm>>
    %dma_wait3A_488 = arith.constant 0 : i32
    %dma_wait3A_489 = arith.constant 0 : i32
    %dma_wait3A_490 = tpu.memref_slice %arg4[%dma_wait3A_476, %dma_wait3A_488, %dma_wait3A_489] : memref<2x56x1024xf32, #tpu.memory_space<vmem>> -> memref<1x56x1024xf32, #tpu.memory_space<vmem>>
    %dma_wait3A_491 = tpu.memref_squeeze %dma_wait3A_490 : memref<1x56x1024xf32, #tpu.memory_space<vmem>> -> memref<56x1024xf32, #tpu.memory_space<vmem>>
    tpu.wait_dma2 semaphore(%arg6 : memref<!tpu.dma_semaphore, #tpu.memory_space<semaphore_mem>>) src(%dma_wait3A_491 : memref<56x1024xf32, #tpu.memory_space<vmem>>) dst(%dma_wait3A_487 : memref<56x1024xf32, #tpu.memory_space<hbm>>)
    %dma_wait3A_492 = arith.constant 0 : i32
    %dma_wait3A_493 = arith.constant 3 : i32
    %dma_wait3A_494 = arith.constant 0 : i32
    %dma_wait3A_495 = arith.constant 0 : i32
    %dma_wait3A_496 = tpu.memref_slice %arg4[%dma_wait3A_492, %dma_wait3A_494, %dma_wait3A_495] : memref<2x56x1024xf32, #tpu.memory_space<vmem>> -> memref<1x56x1024xf32, #tpu.memory_space<vmem>>
    %dma_wait3A_497 = tpu.memref_squeeze %dma_wait3A_496 : memref<1x56x1024xf32, #tpu.memory_space<vmem>> -> memref<56x1024xf32, #tpu.memory_space<vmem>>
    %dma_wait3A_498 = arith.constant 0 : i32
    %dma_wait3A_499 = tpu.memref_slice %arg3[%dma_wait3A_493, %add3A_427, %dma_wait3A_498] : memref<4x8192x1024xf32, #tpu.memory_space<hbm>> -> memref<1x56x1024xf32, #tpu.memory_space<hbm>>
    %dma_wait3A_500 = tpu.memref_squeeze %dma_wait3A_499 : memref<1x56x1024xf32, #tpu.memory_space<hbm>> -> memref<56x1024xf32, #tpu.memory_space<hbm>>
    %dma_wait3A_501 = arith.constant 0 : i32
    %dma_wait3A_502 = tpu.memref_slice %arg3[%dma_wait3A_493, %add3A_427, %dma_wait3A_501] : memref<4x8192x1024xf32, #tpu.memory_space<hbm>> -> memref<1x56x1024xf32, #tpu.memory_space<hbm>>
    %dma_wait3A_503 = tpu.memref_squeeze %dma_wait3A_502 : memref<1x56x1024xf32, #tpu.memory_space<hbm>> -> memref<56x1024xf32, #tpu.memory_space<hbm>>
    %dma_wait3A_504 = arith.constant 0 : i32
    %dma_wait3A_505 = arith.constant 0 : i32
    %dma_wait3A_506 = tpu.memref_slice %arg4[%dma_wait3A_492, %dma_wait3A_504, %dma_wait3A_505] : memref<2x56x1024xf32, #tpu.memory_space<vmem>> -> memref<1x56x1024xf32, #tpu.memory_space<vmem>>
    %dma_wait3A_507 = tpu.memref_squeeze %dma_wait3A_506 : memref<1x56x1024xf32, #tpu.memory_space<vmem>> -> memref<56x1024xf32, #tpu.memory_space<vmem>>
    tpu.wait_dma2 semaphore(%arg6 : memref<!tpu.dma_semaphore, #tpu.memory_space<semaphore_mem>>) src(%dma_wait3A_507 : memref<56x1024xf32, #tpu.memory_space<vmem>>) dst(%dma_wait3A_503 : memref<56x1024xf32, #tpu.memory_space<hbm>>)
    %add3A_508 = arith.constant 224 : i32
    %add3A_509 = arith.addi %mul3A_2, %add3A_508 : i32
    %dma_start3A_510 = arith.constant 0 : i32
    %dma_start3A_511 = arith.constant 0 : i32
    %dma_start3A_512 = arith.constant 0 : i32
    %dma_start3A_513 = tpu.memref_slice %arg4[%dma_start3A_510, %dma_start3A_511, %dma_start3A_512] : memref<2x56x1024xf32, #tpu.memory_space<vmem>> -> memref<1x32x1024xf32, #tpu.memory_space<vmem>>
    %dma_start3A_514 = tpu.memref_squeeze %dma_start3A_513 : memref<1x32x1024xf32, #tpu.memory_space<vmem>> -> memref<32x1024xf32, #tpu.memory_space<vmem>>
    %dma_start3A_515 = arith.constant 0 : i32
    %dma_start3A_516 = tpu.memref_slice %arg2[%add3A_509, %dma_start3A_515] : memref<8192x1024xf32, #tpu.memory_space<hbm>> -> memref<32x1024xf32, #tpu.memory_space<hbm>>
    %dma_start3A_517 = arith.constant 0 : i32
    %dma_start3A_518 = arith.constant 0 : i32
    %dma_start3A_519 = tpu.memref_slice %arg4[%dma_start3A_510, %dma_start3A_517, %dma_start3A_518] : memref<2x56x1024xf32, #tpu.memory_space<vmem>> -> memref<1x32x1024xf32, #tpu.memory_space<vmem>>
    %dma_start3A_520 = tpu.memref_squeeze %dma_start3A_519 : memref<1x32x1024xf32, #tpu.memory_space<vmem>> -> memref<32x1024xf32, #tpu.memory_space<vmem>>
    %dma_start3A_521 = arith.constant 0 : i32
    %dma_start3A_522 = tpu.memref_slice %arg2[%add3A_509, %dma_start3A_521] : memref<8192x1024xf32, #tpu.memory_space<hbm>> -> memref<32x1024xf32, #tpu.memory_space<hbm>>
    tpu.enqueue_dma source(%dma_start3A_522 : memref<32x1024xf32, #tpu.memory_space<hbm>>) target(%dma_start3A_520 : memref<32x1024xf32, #tpu.memory_space<vmem>>) target_semaphore(%arg5 : memref<!tpu.dma_semaphore, #tpu.memory_space<semaphore_mem>>)
    %dma_wait3A_523 = arith.constant 1 : i32
    %dma_wait3A_524 = arith.constant 0 : i32
    %dma_wait3A_525 = arith.constant 0 : i32
    %dma_wait3A_526 = tpu.memref_slice %arg4[%dma_wait3A_523, %dma_wait3A_524, %dma_wait3A_525] : memref<2x56x1024xf32, #tpu.memory_space<vmem>> -> memref<1x56x1024xf32, #tpu.memory_space<vmem>>
    %dma_wait3A_527 = tpu.memref_squeeze %dma_wait3A_526 : memref<1x56x1024xf32, #tpu.memory_space<vmem>> -> memref<56x1024xf32, #tpu.memory_space<vmem>>
    %dma_wait3A_528 = arith.constant 0 : i32
    %dma_wait3A_529 = tpu.memref_slice %arg2[%add3A_345, %dma_wait3A_528] : memref<8192x1024xf32, #tpu.memory_space<hbm>> -> memref<56x1024xf32, #tpu.memory_space<hbm>>
    %dma_wait3A_530 = arith.constant 0 : i32
    %dma_wait3A_531 = arith.constant 0 : i32
    %dma_wait3A_532 = tpu.memref_slice %arg4[%dma_wait3A_523, %dma_wait3A_530, %dma_wait3A_531] : memref<2x56x1024xf32, #tpu.memory_space<vmem>> -> memref<1x56x1024xf32, #tpu.memory_space<vmem>>
    %dma_wait3A_533 = tpu.memref_squeeze %dma_wait3A_532 : memref<1x56x1024xf32, #tpu.memory_space<vmem>> -> memref<56x1024xf32, #tpu.memory_space<vmem>>
    %dma_wait3A_534 = arith.constant 0 : i32
    %dma_wait3A_535 = tpu.memref_slice %arg2[%add3A_345, %dma_wait3A_534] : memref<8192x1024xf32, #tpu.memory_space<hbm>> -> memref<56x1024xf32, #tpu.memory_space<hbm>>
    tpu.wait_dma2 semaphore(%arg5 : memref<!tpu.dma_semaphore, #tpu.memory_space<semaphore_mem>>) src(%dma_wait3A_535 : memref<56x1024xf32, #tpu.memory_space<hbm>>) dst(%dma_wait3A_533 : memref<56x1024xf32, #tpu.memory_space<vmem>>)
    %add3A_536 = arith.constant 168 : i32
    %add3A_537 = arith.addi %mul3A_2, %add3A_536 : i32
    %dma_start3A_538 = arith.constant 1 : i32
    %dma_start3A_539 = arith.constant 0 : i32
    %dma_start3A_540 = arith.constant 0 : i32
    %dma_start3A_541 = arith.constant 0 : i32
    %dma_start3A_542 = tpu.memref_slice %arg4[%dma_start3A_538, %dma_start3A_540, %dma_start3A_541] : memref<2x56x1024xf32, #tpu.memory_space<vmem>> -> memref<1x56x1024xf32, #tpu.memory_space<vmem>>
    %dma_start3A_543 = tpu.memref_squeeze %dma_start3A_542 : memref<1x56x1024xf32, #tpu.memory_space<vmem>> -> memref<56x1024xf32, #tpu.memory_space<vmem>>
    %dma_start3A_544 = arith.constant 0 : i32
    %dma_start3A_545 = tpu.memref_slice %arg3[%dma_start3A_539, %add3A_537, %dma_start3A_544] : memref<4x8192x1024xf32, #tpu.memory_space<hbm>> -> memref<1x56x1024xf32, #tpu.memory_space<hbm>>
    %dma_start3A_546 = tpu.memref_squeeze %dma_start3A_545 : memref<1x56x1024xf32, #tpu.memory_space<hbm>> -> memref<56x1024xf32, #tpu.memory_space<hbm>>
    %dma_start3A_547 = arith.constant 0 : i32
    %dma_start3A_548 = tpu.memref_slice %arg3[%dma_start3A_539, %add3A_537, %dma_start3A_547] : memref<4x8192x1024xf32, #tpu.memory_space<hbm>> -> memref<1x56x1024xf32, #tpu.memory_space<hbm>>
    %dma_start3A_549 = tpu.memref_squeeze %dma_start3A_548 : memref<1x56x1024xf32, #tpu.memory_space<hbm>> -> memref<56x1024xf32, #tpu.memory_space<hbm>>
    %dma_start3A_550 = arith.constant 0 : i32
    %dma_start3A_551 = arith.constant 0 : i32
    %dma_start3A_552 = tpu.memref_slice %arg4[%dma_start3A_538, %dma_start3A_550, %dma_start3A_551] : memref<2x56x1024xf32, #tpu.memory_space<vmem>> -> memref<1x56x1024xf32, #tpu.memory_space<vmem>>
    %dma_start3A_553 = tpu.memref_squeeze %dma_start3A_552 : memref<1x56x1024xf32, #tpu.memory_space<vmem>> -> memref<56x1024xf32, #tpu.memory_space<vmem>>
    tpu.enqueue_dma source(%dma_start3A_553 : memref<56x1024xf32, #tpu.memory_space<vmem>>) target(%dma_start3A_549 : memref<56x1024xf32, #tpu.memory_space<hbm>>) target_semaphore(%arg6 : memref<!tpu.dma_semaphore, #tpu.memory_space<semaphore_mem>>)
    %add3A_554 = arith.constant 168 : i32
    %add3A_555 = arith.addi %mul3A_2, %add3A_554 : i32
    %dma_start3A_556 = arith.constant 1 : i32
    %dma_start3A_557 = arith.constant 1 : i32
    %dma_start3A_558 = arith.constant 0 : i32
    %dma_start3A_559 = arith.constant 0 : i32
    %dma_start3A_560 = tpu.memref_slice %arg4[%dma_start3A_556, %dma_start3A_558, %dma_start3A_559] : memref<2x56x1024xf32, #tpu.memory_space<vmem>> -> memref<1x56x1024xf32, #tpu.memory_space<vmem>>
    %dma_start3A_561 = tpu.memref_squeeze %dma_start3A_560 : memref<1x56x1024xf32, #tpu.memory_space<vmem>> -> memref<56x1024xf32, #tpu.memory_space<vmem>>
    %dma_start3A_562 = arith.constant 0 : i32
    %dma_start3A_563 = tpu.memref_slice %arg3[%dma_start3A_557, %add3A_555, %dma_start3A_562] : memref<4x8192x1024xf32, #tpu.memory_space<hbm>> -> memref<1x56x1024xf32, #tpu.memory_space<hbm>>
    %dma_start3A_564 = tpu.memref_squeeze %dma_start3A_563 : memref<1x56x1024xf32, #tpu.memory_space<hbm>> -> memref<56x1024xf32, #tpu.memory_space<hbm>>
    %dma_start3A_565 = arith.constant 0 : i32
    %dma_start3A_566 = tpu.memref_slice %arg3[%dma_start3A_557, %add3A_555, %dma_start3A_565] : memref<4x8192x1024xf32, #tpu.memory_space<hbm>> -> memref<1x56x1024xf32, #tpu.memory_space<hbm>>
    %dma_start3A_567 = tpu.memref_squeeze %dma_start3A_566 : memref<1x56x1024xf32, #tpu.memory_space<hbm>> -> memref<56x1024xf32, #tpu.memory_space<hbm>>
    %dma_start3A_568 = arith.constant 0 : i32
    %dma_start3A_569 = arith.constant 0 : i32
    %dma_start3A_570 = tpu.memref_slice %arg4[%dma_start3A_556, %dma_start3A_568, %dma_start3A_569] : memref<2x56x1024xf32, #tpu.memory_space<vmem>> -> memref<1x56x1024xf32, #tpu.memory_space<vmem>>
    %dma_start3A_571 = tpu.memref_squeeze %dma_start3A_570 : memref<1x56x1024xf32, #tpu.memory_space<vmem>> -> memref<56x1024xf32, #tpu.memory_space<vmem>>
    tpu.enqueue_dma source(%dma_start3A_571 : memref<56x1024xf32, #tpu.memory_space<vmem>>) target(%dma_start3A_567 : memref<56x1024xf32, #tpu.memory_space<hbm>>) target_semaphore(%arg6 : memref<!tpu.dma_semaphore, #tpu.memory_space<semaphore_mem>>)
    %add3A_572 = arith.constant 168 : i32
    %add3A_573 = arith.addi %mul3A_2, %add3A_572 : i32
    %dma_start3A_574 = arith.constant 1 : i32
    %dma_start3A_575 = arith.constant 2 : i32
    %dma_start3A_576 = arith.constant 0 : i32
    %dma_start3A_577 = arith.constant 0 : i32
    %dma_start3A_578 = tpu.memref_slice %arg4[%dma_start3A_574, %dma_start3A_576, %dma_start3A_577] : memref<2x56x1024xf32, #tpu.memory_space<vmem>> -> memref<1x56x1024xf32, #tpu.memory_space<vmem>>
    %dma_start3A_579 = tpu.memref_squeeze %dma_start3A_578 : memref<1x56x1024xf32, #tpu.memory_space<vmem>> -> memref<56x1024xf32, #tpu.memory_space<vmem>>
    %dma_start3A_580 = arith.constant 0 : i32
    %dma_start3A_581 = tpu.memref_slice %arg3[%dma_start3A_575, %add3A_573, %dma_start3A_580] : memref<4x8192x1024xf32, #tpu.memory_space<hbm>> -> memref<1x56x1024xf32, #tpu.memory_space<hbm>>
    %dma_start3A_582 = tpu.memref_squeeze %dma_start3A_581 : memref<1x56x1024xf32, #tpu.memory_space<hbm>> -> memref<56x1024xf32, #tpu.memory_space<hbm>>
    %dma_start3A_583 = arith.constant 0 : i32
    %dma_start3A_584 = tpu.memref_slice %arg3[%dma_start3A_575, %add3A_573, %dma_start3A_583] : memref<4x8192x1024xf32, #tpu.memory_space<hbm>> -> memref<1x56x1024xf32, #tpu.memory_space<hbm>>
    %dma_start3A_585 = tpu.memref_squeeze %dma_start3A_584 : memref<1x56x1024xf32, #tpu.memory_space<hbm>> -> memref<56x1024xf32, #tpu.memory_space<hbm>>
    %dma_start3A_586 = arith.constant 0 : i32
    %dma_start3A_587 = arith.constant 0 : i32
    %dma_start3A_588 = tpu.memref_slice %arg4[%dma_start3A_574, %dma_start3A_586, %dma_start3A_587] : memref<2x56x1024xf32, #tpu.memory_space<vmem>> -> memref<1x56x1024xf32, #tpu.memory_space<vmem>>
    %dma_start3A_589 = tpu.memref_squeeze %dma_start3A_588 : memref<1x56x1024xf32, #tpu.memory_space<vmem>> -> memref<56x1024xf32, #tpu.memory_space<vmem>>
    tpu.enqueue_dma source(%dma_start3A_589 : memref<56x1024xf32, #tpu.memory_space<vmem>>) target(%dma_start3A_585 : memref<56x1024xf32, #tpu.memory_space<hbm>>) target_semaphore(%arg6 : memref<!tpu.dma_semaphore, #tpu.memory_space<semaphore_mem>>)
    %add3A_590 = arith.constant 168 : i32
    %add3A_591 = arith.addi %mul3A_2, %add3A_590 : i32
    %dma_start3A_592 = arith.constant 1 : i32
    %dma_start3A_593 = arith.constant 3 : i32
    %dma_start3A_594 = arith.constant 0 : i32
    %dma_start3A_595 = arith.constant 0 : i32
    %dma_start3A_596 = tpu.memref_slice %arg4[%dma_start3A_592, %dma_start3A_594, %dma_start3A_595] : memref<2x56x1024xf32, #tpu.memory_space<vmem>> -> memref<1x56x1024xf32, #tpu.memory_space<vmem>>
    %dma_start3A_597 = tpu.memref_squeeze %dma_start3A_596 : memref<1x56x1024xf32, #tpu.memory_space<vmem>> -> memref<56x1024xf32, #tpu.memory_space<vmem>>
    %dma_start3A_598 = arith.constant 0 : i32
    %dma_start3A_599 = tpu.memref_slice %arg3[%dma_start3A_593, %add3A_591, %dma_start3A_598] : memref<4x8192x1024xf32, #tpu.memory_space<hbm>> -> memref<1x56x1024xf32, #tpu.memory_space<hbm>>
    %dma_start3A_600 = tpu.memref_squeeze %dma_start3A_599 : memref<1x56x1024xf32, #tpu.memory_space<hbm>> -> memref<56x1024xf32, #tpu.memory_space<hbm>>
    %dma_start3A_601 = arith.constant 0 : i32
    %dma_start3A_602 = tpu.memref_slice %arg3[%dma_start3A_593, %add3A_591, %dma_start3A_601] : memref<4x8192x1024xf32, #tpu.memory_space<hbm>> -> memref<1x56x1024xf32, #tpu.memory_space<hbm>>
    %dma_start3A_603 = tpu.memref_squeeze %dma_start3A_602 : memref<1x56x1024xf32, #tpu.memory_space<hbm>> -> memref<56x1024xf32, #tpu.memory_space<hbm>>
    %dma_start3A_604 = arith.constant 0 : i32
    %dma_start3A_605 = arith.constant 0 : i32
    %dma_start3A_606 = tpu.memref_slice %arg4[%dma_start3A_592, %dma_start3A_604, %dma_start3A_605] : memref<2x56x1024xf32, #tpu.memory_space<vmem>> -> memref<1x56x1024xf32, #tpu.memory_space<vmem>>
    %dma_start3A_607 = tpu.memref_squeeze %dma_start3A_606 : memref<1x56x1024xf32, #tpu.memory_space<vmem>> -> memref<56x1024xf32, #tpu.memory_space<vmem>>
    tpu.enqueue_dma source(%dma_start3A_607 : memref<56x1024xf32, #tpu.memory_space<vmem>>) target(%dma_start3A_603 : memref<56x1024xf32, #tpu.memory_space<hbm>>) target_semaphore(%arg6 : memref<!tpu.dma_semaphore, #tpu.memory_space<semaphore_mem>>)
    %dma_wait3A_608 = arith.constant 0 : i32
    %dma_wait3A_609 = arith.constant 0 : i32
    %dma_wait3A_610 = arith.constant 0 : i32
    %dma_wait3A_611 = tpu.memref_slice %arg4[%dma_wait3A_608, %dma_wait3A_609, %dma_wait3A_610] : memref<2x56x1024xf32, #tpu.memory_space<vmem>> -> memref<1x32x1024xf32, #tpu.memory_space<vmem>>
    %dma_wait3A_612 = tpu.memref_squeeze %dma_wait3A_611 : memref<1x32x1024xf32, #tpu.memory_space<vmem>> -> memref<32x1024xf32, #tpu.memory_space<vmem>>
    %dma_wait3A_613 = arith.constant 0 : i32
    %dma_wait3A_614 = tpu.memref_slice %arg2[%add3A_509, %dma_wait3A_613] : memref<8192x1024xf32, #tpu.memory_space<hbm>> -> memref<32x1024xf32, #tpu.memory_space<hbm>>
    %dma_wait3A_615 = arith.constant 0 : i32
    %dma_wait3A_616 = arith.constant 0 : i32
    %dma_wait3A_617 = tpu.memref_slice %arg4[%dma_wait3A_608, %dma_wait3A_615, %dma_wait3A_616] : memref<2x56x1024xf32, #tpu.memory_space<vmem>> -> memref<1x32x1024xf32, #tpu.memory_space<vmem>>
    %dma_wait3A_618 = tpu.memref_squeeze %dma_wait3A_617 : memref<1x32x1024xf32, #tpu.memory_space<vmem>> -> memref<32x1024xf32, #tpu.memory_space<vmem>>
    %dma_wait3A_619 = arith.constant 0 : i32
    %dma_wait3A_620 = tpu.memref_slice %arg2[%add3A_509, %dma_wait3A_619] : memref<8192x1024xf32, #tpu.memory_space<hbm>> -> memref<32x1024xf32, #tpu.memory_space<hbm>>
    tpu.wait_dma2 semaphore(%arg5 : memref<!tpu.dma_semaphore, #tpu.memory_space<semaphore_mem>>) src(%dma_wait3A_620 : memref<32x1024xf32, #tpu.memory_space<hbm>>) dst(%dma_wait3A_618 : memref<32x1024xf32, #tpu.memory_space<vmem>>)
    %add3A_621 = arith.constant 224 : i32
    %add3A_622 = arith.addi %mul3A_2, %add3A_621 : i32
    %dma_start3A_623 = arith.constant 0 : i32
    %dma_start3A_624 = arith.constant 0 : i32
    %dma_start3A_625 = arith.constant 0 : i32
    %dma_start3A_626 = arith.constant 0 : i32
    %dma_start3A_627 = tpu.memref_slice %arg4[%dma_start3A_623, %dma_start3A_625, %dma_start3A_626] : memref<2x56x1024xf32, #tpu.memory_space<vmem>> -> memref<1x32x1024xf32, #tpu.memory_space<vmem>>
    %dma_start3A_628 = tpu.memref_squeeze %dma_start3A_627 : memref<1x32x1024xf32, #tpu.memory_space<vmem>> -> memref<32x1024xf32, #tpu.memory_space<vmem>>
    %dma_start3A_629 = arith.constant 0 : i32
    %dma_start3A_630 = tpu.memref_slice %arg3[%dma_start3A_624, %add3A_622, %dma_start3A_629] : memref<4x8192x1024xf32, #tpu.memory_space<hbm>> -> memref<1x32x1024xf32, #tpu.memory_space<hbm>>
    %dma_start3A_631 = tpu.memref_squeeze %dma_start3A_630 : memref<1x32x1024xf32, #tpu.memory_space<hbm>> -> memref<32x1024xf32, #tpu.memory_space<hbm>>
    %dma_start3A_632 = arith.constant 0 : i32
    %dma_start3A_633 = tpu.memref_slice %arg3[%dma_start3A_624, %add3A_622, %dma_start3A_632] : memref<4x8192x1024xf32, #tpu.memory_space<hbm>> -> memref<1x32x1024xf32, #tpu.memory_space<hbm>>
    %dma_start3A_634 = tpu.memref_squeeze %dma_start3A_633 : memref<1x32x1024xf32, #tpu.memory_space<hbm>> -> memref<32x1024xf32, #tpu.memory_space<hbm>>
    %dma_start3A_635 = arith.constant 0 : i32
    %dma_start3A_636 = arith.constant 0 : i32
    %dma_start3A_637 = tpu.memref_slice %arg4[%dma_start3A_623, %dma_start3A_635, %dma_start3A_636] : memref<2x56x1024xf32, #tpu.memory_space<vmem>> -> memref<1x32x1024xf32, #tpu.memory_space<vmem>>
    %dma_start3A_638 = tpu.memref_squeeze %dma_start3A_637 : memref<1x32x1024xf32, #tpu.memory_space<vmem>> -> memref<32x1024xf32, #tpu.memory_space<vmem>>
    tpu.enqueue_dma source(%dma_start3A_638 : memref<32x1024xf32, #tpu.memory_space<vmem>>) target(%dma_start3A_634 : memref<32x1024xf32, #tpu.memory_space<hbm>>) target_semaphore(%arg6 : memref<!tpu.dma_semaphore, #tpu.memory_space<semaphore_mem>>)
    %add3A_639 = arith.constant 224 : i32
    %add3A_640 = arith.addi %mul3A_2, %add3A_639 : i32
    %dma_start3A_641 = arith.constant 0 : i32
    %dma_start3A_642 = arith.constant 1 : i32
    %dma_start3A_643 = arith.constant 0 : i32
    %dma_start3A_644 = arith.constant 0 : i32
    %dma_start3A_645 = tpu.memref_slice %arg4[%dma_start3A_641, %dma_start3A_643, %dma_start3A_644] : memref<2x56x1024xf32, #tpu.memory_space<vmem>> -> memref<1x32x1024xf32, #tpu.memory_space<vmem>>
    %dma_start3A_646 = tpu.memref_squeeze %dma_start3A_645 : memref<1x32x1024xf32, #tpu.memory_space<vmem>> -> memref<32x1024xf32, #tpu.memory_space<vmem>>
    %dma_start3A_647 = arith.constant 0 : i32
    %dma_start3A_648 = tpu.memref_slice %arg3[%dma_start3A_642, %add3A_640, %dma_start3A_647] : memref<4x8192x1024xf32, #tpu.memory_space<hbm>> -> memref<1x32x1024xf32, #tpu.memory_space<hbm>>
    %dma_start3A_649 = tpu.memref_squeeze %dma_start3A_648 : memref<1x32x1024xf32, #tpu.memory_space<hbm>> -> memref<32x1024xf32, #tpu.memory_space<hbm>>
    %dma_start3A_650 = arith.constant 0 : i32
    %dma_start3A_651 = tpu.memref_slice %arg3[%dma_start3A_642, %add3A_640, %dma_start3A_650] : memref<4x8192x1024xf32, #tpu.memory_space<hbm>> -> memref<1x32x1024xf32, #tpu.memory_space<hbm>>
    %dma_start3A_652 = tpu.memref_squeeze %dma_start3A_651 : memref<1x32x1024xf32, #tpu.memory_space<hbm>> -> memref<32x1024xf32, #tpu.memory_space<hbm>>
    %dma_start3A_653 = arith.constant 0 : i32
    %dma_start3A_654 = arith.constant 0 : i32
    %dma_start3A_655 = tpu.memref_slice %arg4[%dma_start3A_641, %dma_start3A_653, %dma_start3A_654] : memref<2x56x1024xf32, #tpu.memory_space<vmem>> -> memref<1x32x1024xf32, #tpu.memory_space<vmem>>
    %dma_start3A_656 = tpu.memref_squeeze %dma_start3A_655 : memref<1x32x1024xf32, #tpu.memory_space<vmem>> -> memref<32x1024xf32, #tpu.memory_space<vmem>>
    tpu.enqueue_dma source(%dma_start3A_656 : memref<32x1024xf32, #tpu.memory_space<vmem>>) target(%dma_start3A_652 : memref<32x1024xf32, #tpu.memory_space<hbm>>) target_semaphore(%arg6 : memref<!tpu.dma_semaphore, #tpu.memory_space<semaphore_mem>>)
    %add3A_657 = arith.constant 224 : i32
    %add3A_658 = arith.addi %mul3A_2, %add3A_657 : i32
    %dma_start3A_659 = arith.constant 0 : i32
    %dma_start3A_660 = arith.constant 2 : i32
    %dma_start3A_661 = arith.constant 0 : i32
    %dma_start3A_662 = arith.constant 0 : i32
    %dma_start3A_663 = tpu.memref_slice %arg4[%dma_start3A_659, %dma_start3A_661, %dma_start3A_662] : memref<2x56x1024xf32, #tpu.memory_space<vmem>> -> memref<1x32x1024xf32, #tpu.memory_space<vmem>>
    %dma_start3A_664 = tpu.memref_squeeze %dma_start3A_663 : memref<1x32x1024xf32, #tpu.memory_space<vmem>> -> memref<32x1024xf32, #tpu.memory_space<vmem>>
    %dma_start3A_665 = arith.constant 0 : i32
    %dma_start3A_666 = tpu.memref_slice %arg3[%dma_start3A_660, %add3A_658, %dma_start3A_665] : memref<4x8192x1024xf32, #tpu.memory_space<hbm>> -> memref<1x32x1024xf32, #tpu.memory_space<hbm>>
    %dma_start3A_667 = tpu.memref_squeeze %dma_start3A_666 : memref<1x32x1024xf32, #tpu.memory_space<hbm>> -> memref<32x1024xf32, #tpu.memory_space<hbm>>
    %dma_start3A_668 = arith.constant 0 : i32
    %dma_start3A_669 = tpu.memref_slice %arg3[%dma_start3A_660, %add3A_658, %dma_start3A_668] : memref<4x8192x1024xf32, #tpu.memory_space<hbm>> -> memref<1x32x1024xf32, #tpu.memory_space<hbm>>
    %dma_start3A_670 = tpu.memref_squeeze %dma_start3A_669 : memref<1x32x1024xf32, #tpu.memory_space<hbm>> -> memref<32x1024xf32, #tpu.memory_space<hbm>>
    %dma_start3A_671 = arith.constant 0 : i32
    %dma_start3A_672 = arith.constant 0 : i32
    %dma_start3A_673 = tpu.memref_slice %arg4[%dma_start3A_659, %dma_start3A_671, %dma_start3A_672] : memref<2x56x1024xf32, #tpu.memory_space<vmem>> -> memref<1x32x1024xf32, #tpu.memory_space<vmem>>
    %dma_start3A_674 = tpu.memref_squeeze %dma_start3A_673 : memref<1x32x1024xf32, #tpu.memory_space<vmem>> -> memref<32x1024xf32, #tpu.memory_space<vmem>>
    tpu.enqueue_dma source(%dma_start3A_674 : memref<32x1024xf32, #tpu.memory_space<vmem>>) target(%dma_start3A_670 : memref<32x1024xf32, #tpu.memory_space<hbm>>) target_semaphore(%arg6 : memref<!tpu.dma_semaphore, #tpu.memory_space<semaphore_mem>>)
    %add3A_675 = arith.constant 224 : i32
    %add3A_676 = arith.addi %mul3A_2, %add3A_675 : i32
    %dma_start3A_677 = arith.constant 0 : i32
    %dma_start3A_678 = arith.constant 3 : i32
    %dma_start3A_679 = arith.constant 0 : i32
    %dma_start3A_680 = arith.constant 0 : i32
    %dma_start3A_681 = tpu.memref_slice %arg4[%dma_start3A_677, %dma_start3A_679, %dma_start3A_680] : memref<2x56x1024xf32, #tpu.memory_space<vmem>> -> memref<1x32x1024xf32, #tpu.memory_space<vmem>>
    %dma_start3A_682 = tpu.memref_squeeze %dma_start3A_681 : memref<1x32x1024xf32, #tpu.memory_space<vmem>> -> memref<32x1024xf32, #tpu.memory_space<vmem>>
    %dma_start3A_683 = arith.constant 0 : i32
    %dma_start3A_684 = tpu.memref_slice %arg3[%dma_start3A_678, %add3A_676, %dma_start3A_683] : memref<4x8192x1024xf32, #tpu.memory_space<hbm>> -> memref<1x32x1024xf32, #tpu.memory_space<hbm>>
    %dma_start3A_685 = tpu.memref_squeeze %dma_start3A_684 : memref<1x32x1024xf32, #tpu.memory_space<hbm>> -> memref<32x1024xf32, #tpu.memory_space<hbm>>
    %dma_start3A_686 = arith.constant 0 : i32
    %dma_start3A_687 = tpu.memref_slice %arg3[%dma_start3A_678, %add3A_676, %dma_start3A_686] : memref<4x8192x1024xf32, #tpu.memory_space<hbm>> -> memref<1x32x1024xf32, #tpu.memory_space<hbm>>
    %dma_start3A_688 = tpu.memref_squeeze %dma_start3A_687 : memref<1x32x1024xf32, #tpu.memory_space<hbm>> -> memref<32x1024xf32, #tpu.memory_space<hbm>>
    %dma_start3A_689 = arith.constant 0 : i32
    %dma_start3A_690 = arith.constant 0 : i32
    %dma_start3A_691 = tpu.memref_slice %arg4[%dma_start3A_677, %dma_start3A_689, %dma_start3A_690] : memref<2x56x1024xf32, #tpu.memory_space<vmem>> -> memref<1x32x1024xf32, #tpu.memory_space<vmem>>
    %dma_start3A_692 = tpu.memref_squeeze %dma_start3A_691 : memref<1x32x1024xf32, #tpu.memory_space<vmem>> -> memref<32x1024xf32, #tpu.memory_space<vmem>>
    tpu.enqueue_dma source(%dma_start3A_692 : memref<32x1024xf32, #tpu.memory_space<vmem>>) target(%dma_start3A_688 : memref<32x1024xf32, #tpu.memory_space<hbm>>) target_semaphore(%arg6 : memref<!tpu.dma_semaphore, #tpu.memory_space<semaphore_mem>>)
    %dma_wait3A_693 = arith.constant 1 : i32
    %dma_wait3A_694 = arith.constant 0 : i32
    %dma_wait3A_695 = arith.constant 0 : i32
    %dma_wait3A_696 = arith.constant 0 : i32
    %dma_wait3A_697 = tpu.memref_slice %arg4[%dma_wait3A_693, %dma_wait3A_695, %dma_wait3A_696] : memref<2x56x1024xf32, #tpu.memory_space<vmem>> -> memref<1x56x1024xf32, #tpu.memory_space<vmem>>
    %dma_wait3A_698 = tpu.memref_squeeze %dma_wait3A_697 : memref<1x56x1024xf32, #tpu.memory_space<vmem>> -> memref<56x1024xf32, #tpu.memory_space<vmem>>
    %dma_wait3A_699 = arith.constant 0 : i32
    %dma_wait3A_700 = tpu.memref_slice %arg3[%dma_wait3A_694, %add3A_537, %dma_wait3A_699] : memref<4x8192x1024xf32, #tpu.memory_space<hbm>> -> memref<1x56x1024xf32, #tpu.memory_space<hbm>>
    %dma_wait3A_701 = tpu.memref_squeeze %dma_wait3A_700 : memref<1x56x1024xf32, #tpu.memory_space<hbm>> -> memref<56x1024xf32, #tpu.memory_space<hbm>>
    %dma_wait3A_702 = arith.constant 0 : i32
    %dma_wait3A_703 = tpu.memref_slice %arg3[%dma_wait3A_694, %add3A_537, %dma_wait3A_702] : memref<4x8192x1024xf32, #tpu.memory_space<hbm>> -> memref<1x56x1024xf32, #tpu.memory_space<hbm>>
    %dma_wait3A_704 = tpu.memref_squeeze %dma_wait3A_703 : memref<1x56x1024xf32, #tpu.memory_space<hbm>> -> memref<56x1024xf32, #tpu.memory_space<hbm>>
    %dma_wait3A_705 = arith.constant 0 : i32
    %dma_wait3A_706 = arith.constant 0 : i32
    %dma_wait3A_707 = tpu.memref_slice %arg4[%dma_wait3A_693, %dma_wait3A_705, %dma_wait3A_706] : memref<2x56x1024xf32, #tpu.memory_space<vmem>> -> memref<1x56x1024xf32, #tpu.memory_space<vmem>>
    %dma_wait3A_708 = tpu.memref_squeeze %dma_wait3A_707 : memref<1x56x1024xf32, #tpu.memory_space<vmem>> -> memref<56x1024xf32, #tpu.memory_space<vmem>>
    tpu.wait_dma2 semaphore(%arg6 : memref<!tpu.dma_semaphore, #tpu.memory_space<semaphore_mem>>) src(%dma_wait3A_708 : memref<56x1024xf32, #tpu.memory_space<vmem>>) dst(%dma_wait3A_704 : memref<56x1024xf32, #tpu.memory_space<hbm>>)
    %dma_wait3A_709 = arith.constant 1 : i32
    %dma_wait3A_710 = arith.constant 1 : i32
    %dma_wait3A_711 = arith.constant 0 : i32
    %dma_wait3A_712 = arith.constant 0 : i32
    %dma_wait3A_713 = tpu.memref_slice %arg4[%dma_wait3A_709, %dma_wait3A_711, %dma_wait3A_712] : memref<2x56x1024xf32, #tpu.memory_space<vmem>> -> memref<1x56x1024xf32, #tpu.memory_space<vmem>>
    %dma_wait3A_714 = tpu.memref_squeeze %dma_wait3A_713 : memref<1x56x1024xf32, #tpu.memory_space<vmem>> -> memref<56x1024xf32, #tpu.memory_space<vmem>>
    %dma_wait3A_715 = arith.constant 0 : i32
    %dma_wait3A_716 = tpu.memref_slice %arg3[%dma_wait3A_710, %add3A_555, %dma_wait3A_715] : memref<4x8192x1024xf32, #tpu.memory_space<hbm>> -> memref<1x56x1024xf32, #tpu.memory_space<hbm>>
    %dma_wait3A_717 = tpu.memref_squeeze %dma_wait3A_716 : memref<1x56x1024xf32, #tpu.memory_space<hbm>> -> memref<56x1024xf32, #tpu.memory_space<hbm>>
    %dma_wait3A_718 = arith.constant 0 : i32
    %dma_wait3A_719 = tpu.memref_slice %arg3[%dma_wait3A_710, %add3A_555, %dma_wait3A_718] : memref<4x8192x1024xf32, #tpu.memory_space<hbm>> -> memref<1x56x1024xf32, #tpu.memory_space<hbm>>
    %dma_wait3A_720 = tpu.memref_squeeze %dma_wait3A_719 : memref<1x56x1024xf32, #tpu.memory_space<hbm>> -> memref<56x1024xf32, #tpu.memory_space<hbm>>
    %dma_wait3A_721 = arith.constant 0 : i32
    %dma_wait3A_722 = arith.constant 0 : i32
    %dma_wait3A_723 = tpu.memref_slice %arg4[%dma_wait3A_709, %dma_wait3A_721, %dma_wait3A_722] : memref<2x56x1024xf32, #tpu.memory_space<vmem>> -> memref<1x56x1024xf32, #tpu.memory_space<vmem>>
    %dma_wait3A_724 = tpu.memref_squeeze %dma_wait3A_723 : memref<1x56x1024xf32, #tpu.memory_space<vmem>> -> memref<56x1024xf32, #tpu.memory_space<vmem>>
    tpu.wait_dma2 semaphore(%arg6 : memref<!tpu.dma_semaphore, #tpu.memory_space<semaphore_mem>>) src(%dma_wait3A_724 : memref<56x1024xf32, #tpu.memory_space<vmem>>) dst(%dma_wait3A_720 : memref<56x1024xf32, #tpu.memory_space<hbm>>)
    %dma_wait3A_725 = arith.constant 1 : i32
    %dma_wait3A_726 = arith.constant 2 : i32
    %dma_wait3A_727 = arith.constant 0 : i32
    %dma_wait3A_728 = arith.constant 0 : i32
    %dma_wait3A_729 = tpu.memref_slice %arg4[%dma_wait3A_725, %dma_wait3A_727, %dma_wait3A_728] : memref<2x56x1024xf32, #tpu.memory_space<vmem>> -> memref<1x56x1024xf32, #tpu.memory_space<vmem>>
    %dma_wait3A_730 = tpu.memref_squeeze %dma_wait3A_729 : memref<1x56x1024xf32, #tpu.memory_space<vmem>> -> memref<56x1024xf32, #tpu.memory_space<vmem>>
    %dma_wait3A_731 = arith.constant 0 : i32
    %dma_wait3A_732 = tpu.memref_slice %arg3[%dma_wait3A_726, %add3A_573, %dma_wait3A_731] : memref<4x8192x1024xf32, #tpu.memory_space<hbm>> -> memref<1x56x1024xf32, #tpu.memory_space<hbm>>
    %dma_wait3A_733 = tpu.memref_squeeze %dma_wait3A_732 : memref<1x56x1024xf32, #tpu.memory_space<hbm>> -> memref<56x1024xf32, #tpu.memory_space<hbm>>
    %dma_wait3A_734 = arith.constant 0 : i32
    %dma_wait3A_735 = tpu.memref_slice %arg3[%dma_wait3A_726, %add3A_573, %dma_wait3A_734] : memref<4x8192x1024xf32, #tpu.memory_space<hbm>> -> memref<1x56x1024xf32, #tpu.memory_space<hbm>>
    %dma_wait3A_736 = tpu.memref_squeeze %dma_wait3A_735 : memref<1x56x1024xf32, #tpu.memory_space<hbm>> -> memref<56x1024xf32, #tpu.memory_space<hbm>>
    %dma_wait3A_737 = arith.constant 0 : i32
    %dma_wait3A_738 = arith.constant 0 : i32
    %dma_wait3A_739 = tpu.memref_slice %arg4[%dma_wait3A_725, %dma_wait3A_737, %dma_wait3A_738] : memref<2x56x1024xf32, #tpu.memory_space<vmem>> -> memref<1x56x1024xf32, #tpu.memory_space<vmem>>
    %dma_wait3A_740 = tpu.memref_squeeze %dma_wait3A_739 : memref<1x56x1024xf32, #tpu.memory_space<vmem>> -> memref<56x1024xf32, #tpu.memory_space<vmem>>
    tpu.wait_dma2 semaphore(%arg6 : memref<!tpu.dma_semaphore, #tpu.memory_space<semaphore_mem>>) src(%dma_wait3A_740 : memref<56x1024xf32, #tpu.memory_space<vmem>>) dst(%dma_wait3A_736 : memref<56x1024xf32, #tpu.memory_space<hbm>>)
    %dma_wait3A_741 = arith.constant 1 : i32
    %dma_wait3A_742 = arith.constant 3 : i32
    %dma_wait3A_743 = arith.constant 0 : i32
    %dma_wait3A_744 = arith.constant 0 : i32
    %dma_wait3A_745 = tpu.memref_slice %arg4[%dma_wait3A_741, %dma_wait3A_743, %dma_wait3A_744] : memref<2x56x1024xf32, #tpu.memory_space<vmem>> -> memref<1x56x1024xf32, #tpu.memory_space<vmem>>
    %dma_wait3A_746 = tpu.memref_squeeze %dma_wait3A_745 : memref<1x56x1024xf32, #tpu.memory_space<vmem>> -> memref<56x1024xf32, #tpu.memory_space<vmem>>
    %dma_wait3A_747 = arith.constant 0 : i32
    %dma_wait3A_748 = tpu.memref_slice %arg3[%dma_wait3A_742, %add3A_591, %dma_wait3A_747] : memref<4x8192x1024xf32, #tpu.memory_space<hbm>> -> memref<1x56x1024xf32, #tpu.memory_space<hbm>>
    %dma_wait3A_749 = tpu.memref_squeeze %dma_wait3A_748 : memref<1x56x1024xf32, #tpu.memory_space<hbm>> -> memref<56x1024xf32, #tpu.memory_space<hbm>>
    %dma_wait3A_750 = arith.constant 0 : i32
    %dma_wait3A_751 = tpu.memref_slice %arg3[%dma_wait3A_742, %add3A_591, %dma_wait3A_750] : memref<4x8192x1024xf32, #tpu.memory_space<hbm>> -> memref<1x56x1024xf32, #tpu.memory_space<hbm>>
    %dma_wait3A_752 = tpu.memref_squeeze %dma_wait3A_751 : memref<1x56x1024xf32, #tpu.memory_space<hbm>> -> memref<56x1024xf32, #tpu.memory_space<hbm>>
    %dma_wait3A_753 = arith.constant 0 : i32
    %dma_wait3A_754 = arith.constant 0 : i32
    %dma_wait3A_755 = tpu.memref_slice %arg4[%dma_wait3A_741, %dma_wait3A_753, %dma_wait3A_754] : memref<2x56x1024xf32, #tpu.memory_space<vmem>> -> memref<1x56x1024xf32, #tpu.memory_space<vmem>>
    %dma_wait3A_756 = tpu.memref_squeeze %dma_wait3A_755 : memref<1x56x1024xf32, #tpu.memory_space<vmem>> -> memref<56x1024xf32, #tpu.memory_space<vmem>>
    tpu.wait_dma2 semaphore(%arg6 : memref<!tpu.dma_semaphore, #tpu.memory_space<semaphore_mem>>) src(%dma_wait3A_756 : memref<56x1024xf32, #tpu.memory_space<vmem>>) dst(%dma_wait3A_752 : memref<56x1024xf32, #tpu.memory_space<hbm>>)
    %dma_wait3A_757 = arith.constant 0 : i32
    %dma_wait3A_758 = arith.constant 0 : i32
    %dma_wait3A_759 = arith.constant 0 : i32
    %dma_wait3A_760 = arith.constant 0 : i32
    %dma_wait3A_761 = tpu.memref_slice %arg4[%dma_wait3A_757, %dma_wait3A_759, %dma_wait3A_760] : memref<2x56x1024xf32, #tpu.memory_space<vmem>> -> memref<1x32x1024xf32, #tpu.memory_space<vmem>>
    %dma_wait3A_762 = tpu.memref_squeeze %dma_wait3A_761 : memref<1x32x1024xf32, #tpu.memory_space<vmem>> -> memref<32x1024xf32, #tpu.memory_space<vmem>>
    %dma_wait3A_763 = arith.constant 0 : i32
    %dma_wait3A_764 = tpu.memref_slice %arg3[%dma_wait3A_758, %add3A_622, %dma_wait3A_763] : memref<4x8192x1024xf32, #tpu.memory_space<hbm>> -> memref<1x32x1024xf32, #tpu.memory_space<hbm>>
    %dma_wait3A_765 = tpu.memref_squeeze %dma_wait3A_764 : memref<1x32x1024xf32, #tpu.memory_space<hbm>> -> memref<32x1024xf32, #tpu.memory_space<hbm>>
    %dma_wait3A_766 = arith.constant 0 : i32
    %dma_wait3A_767 = tpu.memref_slice %arg3[%dma_wait3A_758, %add3A_622, %dma_wait3A_766] : memref<4x8192x1024xf32, #tpu.memory_space<hbm>> -> memref<1x32x1024xf32, #tpu.memory_space<hbm>>
    %dma_wait3A_768 = tpu.memref_squeeze %dma_wait3A_767 : memref<1x32x1024xf32, #tpu.memory_space<hbm>> -> memref<32x1024xf32, #tpu.memory_space<hbm>>
    %dma_wait3A_769 = arith.constant 0 : i32
    %dma_wait3A_770 = arith.constant 0 : i32
    %dma_wait3A_771 = tpu.memref_slice %arg4[%dma_wait3A_757, %dma_wait3A_769, %dma_wait3A_770] : memref<2x56x1024xf32, #tpu.memory_space<vmem>> -> memref<1x32x1024xf32, #tpu.memory_space<vmem>>
    %dma_wait3A_772 = tpu.memref_squeeze %dma_wait3A_771 : memref<1x32x1024xf32, #tpu.memory_space<vmem>> -> memref<32x1024xf32, #tpu.memory_space<vmem>>
    tpu.wait_dma2 semaphore(%arg6 : memref<!tpu.dma_semaphore, #tpu.memory_space<semaphore_mem>>) src(%dma_wait3A_772 : memref<32x1024xf32, #tpu.memory_space<vmem>>) dst(%dma_wait3A_768 : memref<32x1024xf32, #tpu.memory_space<hbm>>)
    %dma_wait3A_773 = arith.constant 0 : i32
    %dma_wait3A_774 = arith.constant 1 : i32
    %dma_wait3A_775 = arith.constant 0 : i32
    %dma_wait3A_776 = arith.constant 0 : i32
    %dma_wait3A_777 = tpu.memref_slice %arg4[%dma_wait3A_773, %dma_wait3A_775, %dma_wait3A_776] : memref<2x56x1024xf32, #tpu.memory_space<vmem>> -> memref<1x32x1024xf32, #tpu.memory_space<vmem>>
    %dma_wait3A_778 = tpu.memref_squeeze %dma_wait3A_777 : memref<1x32x1024xf32, #tpu.memory_space<vmem>> -> memref<32x1024xf32, #tpu.memory_space<vmem>>
    %dma_wait3A_779 = arith.constant 0 : i32
    %dma_wait3A_780 = tpu.memref_slice %arg3[%dma_wait3A_774, %add3A_640, %dma_wait3A_779] : memref<4x8192x1024xf32, #tpu.memory_space<hbm>> -> memref<1x32x1024xf32, #tpu.memory_space<hbm>>
    %dma_wait3A_781 = tpu.memref_squeeze %dma_wait3A_780 : memref<1x32x1024xf32, #tpu.memory_space<hbm>> -> memref<32x1024xf32, #tpu.memory_space<hbm>>
    %dma_wait3A_782 = arith.constant 0 : i32
    %dma_wait3A_783 = tpu.memref_slice %arg3[%dma_wait3A_774, %add3A_640, %dma_wait3A_782] : memref<4x8192x1024xf32, #tpu.memory_space<hbm>> -> memref<1x32x1024xf32, #tpu.memory_space<hbm>>
    %dma_wait3A_784 = tpu.memref_squeeze %dma_wait3A_783 : memref<1x32x1024xf32, #tpu.memory_space<hbm>> -> memref<32x1024xf32, #tpu.memory_space<hbm>>
    %dma_wait3A_785 = arith.constant 0 : i32
    %dma_wait3A_786 = arith.constant 0 : i32
    %dma_wait3A_787 = tpu.memref_slice %arg4[%dma_wait3A_773, %dma_wait3A_785, %dma_wait3A_786] : memref<2x56x1024xf32, #tpu.memory_space<vmem>> -> memref<1x32x1024xf32, #tpu.memory_space<vmem>>
    %dma_wait3A_788 = tpu.memref_squeeze %dma_wait3A_787 : memref<1x32x1024xf32, #tpu.memory_space<vmem>> -> memref<32x1024xf32, #tpu.memory_space<vmem>>
    tpu.wait_dma2 semaphore(%arg6 : memref<!tpu.dma_semaphore, #tpu.memory_space<semaphore_mem>>) src(%dma_wait3A_788 : memref<32x1024xf32, #tpu.memory_space<vmem>>) dst(%dma_wait3A_784 : memref<32x1024xf32, #tpu.memory_space<hbm>>)
    %dma_wait3A_789 = arith.constant 0 : i32
    %dma_wait3A_790 = arith.constant 2 : i32
    %dma_wait3A_791 = arith.constant 0 : i32
    %dma_wait3A_792 = arith.constant 0 : i32
    %dma_wait3A_793 = tpu.memref_slice %arg4[%dma_wait3A_789, %dma_wait3A_791, %dma_wait3A_792] : memref<2x56x1024xf32, #tpu.memory_space<vmem>> -> memref<1x32x1024xf32, #tpu.memory_space<vmem>>
    %dma_wait3A_794 = tpu.memref_squeeze %dma_wait3A_793 : memref<1x32x1024xf32, #tpu.memory_space<vmem>> -> memref<32x1024xf32, #tpu.memory_space<vmem>>
    %dma_wait3A_795 = arith.constant 0 : i32
    %dma_wait3A_796 = tpu.memref_slice %arg3[%dma_wait3A_790, %add3A_658, %dma_wait3A_795] : memref<4x8192x1024xf32, #tpu.memory_space<hbm>> -> memref<1x32x1024xf32, #tpu.memory_space<hbm>>
    %dma_wait3A_797 = tpu.memref_squeeze %dma_wait3A_796 : memref<1x32x1024xf32, #tpu.memory_space<hbm>> -> memref<32x1024xf32, #tpu.memory_space<hbm>>
    %dma_wait3A_798 = arith.constant 0 : i32
    %dma_wait3A_799 = tpu.memref_slice %arg3[%dma_wait3A_790, %add3A_658, %dma_wait3A_798] : memref<4x8192x1024xf32, #tpu.memory_space<hbm>> -> memref<1x32x1024xf32, #tpu.memory_space<hbm>>
    %dma_wait3A_800 = tpu.memref_squeeze %dma_wait3A_799 : memref<1x32x1024xf32, #tpu.memory_space<hbm>> -> memref<32x1024xf32, #tpu.memory_space<hbm>>
    %dma_wait3A_801 = arith.constant 0 : i32
    %dma_wait3A_802 = arith.constant 0 : i32
    %dma_wait3A_803 = tpu.memref_slice %arg4[%dma_wait3A_789, %dma_wait3A_801, %dma_wait3A_802] : memref<2x56x1024xf32, #tpu.memory_space<vmem>> -> memref<1x32x1024xf32, #tpu.memory_space<vmem>>
    %dma_wait3A_804 = tpu.memref_squeeze %dma_wait3A_803 : memref<1x32x1024xf32, #tpu.memory_space<vmem>> -> memref<32x1024xf32, #tpu.memory_space<vmem>>
    tpu.wait_dma2 semaphore(%arg6 : memref<!tpu.dma_semaphore, #tpu.memory_space<semaphore_mem>>) src(%dma_wait3A_804 : memref<32x1024xf32, #tpu.memory_space<vmem>>) dst(%dma_wait3A_800 : memref<32x1024xf32, #tpu.memory_space<hbm>>)
    %dma_wait3A_805 = arith.constant 0 : i32
    %dma_wait3A_806 = arith.constant 3 : i32
    %dma_wait3A_807 = arith.constant 0 : i32
    %dma_wait3A_808 = arith.constant 0 : i32
    %dma_wait3A_809 = tpu.memref_slice %arg4[%dma_wait3A_805, %dma_wait3A_807, %dma_wait3A_808] : memref<2x56x1024xf32, #tpu.memory_space<vmem>> -> memref<1x32x1024xf32, #tpu.memory_space<vmem>>
    %dma_wait3A_810 = tpu.memref_squeeze %dma_wait3A_809 : memref<1x32x1024xf32, #tpu.memory_space<vmem>> -> memref<32x1024xf32, #tpu.memory_space<vmem>>
    %dma_wait3A_811 = arith.constant 0 : i32
    %dma_wait3A_812 = tpu.memref_slice %arg3[%dma_wait3A_806, %add3A_676, %dma_wait3A_811] : memref<4x8192x1024xf32, #tpu.memory_space<hbm>> -> memref<1x32x1024xf32, #tpu.memory_space<hbm>>
    %dma_wait3A_813 = tpu.memref_squeeze %dma_wait3A_812 : memref<1x32x1024xf32, #tpu.memory_space<hbm>> -> memref<32x1024xf32, #tpu.memory_space<hbm>>
    %dma_wait3A_814 = arith.constant 0 : i32
    %dma_wait3A_815 = tpu.memref_slice %arg3[%dma_wait3A_806, %add3A_676, %dma_wait3A_814] : memref<4x8192x1024xf32, #tpu.memory_space<hbm>> -> memref<1x32x1024xf32, #tpu.memory_space<hbm>>
    %dma_wait3A_816 = tpu.memref_squeeze %dma_wait3A_815 : memref<1x32x1024xf32, #tpu.memory_space<hbm>> -> memref<32x1024xf32, #tpu.memory_space<hbm>>
    %dma_wait3A_817 = arith.constant 0 : i32
    %dma_wait3A_818 = arith.constant 0 : i32
    %dma_wait3A_819 = tpu.memref_slice %arg4[%dma_wait3A_805, %dma_wait3A_817, %dma_wait3A_818] : memref<2x56x1024xf32, #tpu.memory_space<vmem>> -> memref<1x32x1024xf32, #tpu.memory_space<vmem>>
    %dma_wait3A_820 = tpu.memref_squeeze %dma_wait3A_819 : memref<1x32x1024xf32, #tpu.memory_space<vmem>> -> memref<32x1024xf32, #tpu.memory_space<vmem>>
    tpu.wait_dma2 semaphore(%arg6 : memref<!tpu.dma_semaphore, #tpu.memory_space<semaphore_mem>>) src(%dma_wait3A_820 : memref<32x1024xf32, #tpu.memory_space<vmem>>) dst(%dma_wait3A_816 : memref<32x1024xf32, #tpu.memory_space<hbm>>)
    return
  }
}

</mosaic_0001>

<sc_bundles>
// kernel: kernel.3.cloned.1.call-start
scs
__scs_entry_jumppad:
0x0: {  	(pc) =	sbr.rel $0x88, $3  }
0x1: {  	(tag) =	ssettag $0x0;
	lr =	simm.s32 $0x1  }
0x2: {  	[smem:$0x3FA0] =	sst lr;
	_ =	strace $0xD0000000  }
0x3: {  	_ = 	snop  }
0x4: {  	_ = 	snop  }
0x5: {  	_ = 	snop  }
0x6: {  	_ = 	snop  }
0x7: {  	_ = 	snop  }
__scs_overlays_trampoline_lowered:
0x8: {  	[smem:$0x3FAF] =	sst s0  }
0x9: {  	[smem:$0x3FB0] =	sst s1  }
0xa: {  	[smem:$0x3FB1] =	sst s2  }
0xb: {  	[smem:$0x3FB2] =	sst s3  }
0xc: {  	[smem:$0x3FB3] =	sst s4  }
0xd: {  	[smem:$0x3FB4] =	sst s5  }
0xe: {  	[smem:$0x3FB5] =	sst s6  }
0xf: {  	[smem:$0x3FB6] =	sst s7  }
0x10: {  	[smem:$0x3FB7] =	sst s8  }
0x11: {  	[smem:$0x3FB8] =	sst s9;
	s0 =	simm.s32 @!p0 $0x0  }
0x12: {  	s1 =	sld [smem:$0x3F9E];
	s0 =	simm.s32 @p0 $0x1  }
0x13: {  	[smem:$0x3FB9] =	sst s0;
	s0 =	simm.s32 @!p1 $0x0  }
0x14: {  	s2 =	sld [smem:$0x3F9D];
	s0 =	simm.s32 @p1 $0x1  }
0x15: {  	[smem:$0x3FBA] =	sst s0;
	s0 =	simm.s32 @!p2 $0x0  }
0x16: {  	s3 =	sld [smem:$0x3FDB];
	s0 =	simm.s32 @p2 $0x1  }
0x17: {  	s4 =	simm.s32 $0x1BF5;
	[smem:$0x3FBC] =	sst s0  }
0x18: {  	s0 =	sld [smem:$0x3F9F];
	_ =	swait.ge [sflag:s4], $0x0  }
0x19: {  	s7 =	sld [smem:$0x3FA0]  }
0x1a: {  	s8 =	sadd.s32 $0xFFFFE003, lr  }
0x1b: {  	s9 =	sadd.s32 $0xFFFFFEF7, lr;
	s5 =	simm.s32 $0xFFFFFFFF;
	p2 =	slt.u32 s8, $0xFFFFF086  }
0x1c: {  	p1 =	slt.u32 s9, $0xF7A;
	s5 =	simm.s32 @!p2 $0x0  }
0x1d: {  	s5 =	simm.s32 @p1 $0x1;
	p0 =	seq.s32 s7, s2  }
0x1e: {  	s7 =	smul.u32 @!p0 $0xF7A, s2;
	p2 =	seq.s32 @!p0 s5, $0x0  }
0x1f: {  	s9 =	smul.u32 $0xF7A, s1;
	s8 =	simm.s32 @!p0 $0x1BF5;
	p2 =	por !p2, p0  }
0x20: {  	[sflag:s8] =	ssyncset.s32 @!p0 $0xFFFFF086;
	s6 =	sadd.s32 @!p0 s3, s7;
	s7 =	simm.s32 @!p0 $0x108  }
0x21: {  	s3 =	sadd.s32 s3, s9;
	s6 =	sadd.s32 @!p0 $0x88, s6;
	s7 =	simm.s32 @p2 $0x1082  }
0x22: {  	[simem:s7], [sflag:s8] =	dma.local @!p0 [hbm:s6], $0xF7A  }
0x23: {  	s9 =	sor.u32 $0xD0000000, s2;
	s6 =	simm.s32 $0x108;
	_ =	swait.ge @!p0 [sflag:s8], $0x0  }
0x24: {  	s3 =	sadd.s32 $0x88, s3;
	s6 =	simm.s32 @!p1 $0x1082;
	[sflag:s4] =	ssyncset.s32 $0xFFFFF086  }
0x25: {  	[simem:s6], [sflag:s4] =	dma.local [hbm:s3], $0xF7A  }
0x26: {  	[smem:$0x3FA0] =	sst s1;
	(tag) =	ssettag s2;
	_ =	strace s9  }
0x27: {  	s1 =	sld [smem:$0x3FB0]  }
0x28: {  	s2 =	sld [smem:$0x3FB1]  }
0x29: {  	s4 =	sld [smem:$0x3FB3]  }
0x2a: {  	p0 =	seq.s32 s5, $0x0;
	s5 =	sld [smem:$0x3FB4]  }
0x2b: {  	s6 =	sld [smem:$0x3FB5]  }
0x2c: {  	s7 =	sld [smem:$0x3FB6]  }
0x2d: {  	s3 =	simm.s32 $0x108;
	s8 =	sld [smem:$0x3FB7]  }
0x2e: {  	s3 =	simm.s32 @!p0 $0x1082;
	s9 =	sld [smem:$0x3FB8]  }
0x2f: {  	lr =	sadd.s32 s0, s3;
	s0 =	sld [smem:$0x3FAF]  }
0x30: {  	s3 =	sld [smem:$0x3FB2]  }
0x31: {  	[smem:$0x3FBB] =	sst s10  }
0x32: {  	s10 =	sld [smem:$0x3FB9];
	_ =	sdelay $0x3  }
0x33: {  	p0 =	seq.s32 s10, $0x1;
	s10 =	sld [smem:$0x3FBB];
	_ =	sdelay $0x3  }
0x34: {  	[smem:$0x3FBB] =	sst s10  }
0x35: {  	s10 =	sld [smem:$0x3FBA];
	_ =	sdelay $0x3  }
0x36: {  	p1 =	seq.s32 s10, $0x1;
	s10 =	sld [smem:$0x3FBB];
	_ =	sdelay $0x3  }
0x37: {  	[smem:$0x3FBB] =	sst s10  }
0x38: {  	s10 =	sld [smem:$0x3FBC]  }
0x39: {  	_ = 	snop;
	(pc) =	sbr.ind lr, $3  }
0x3a: {  	_ = 	snop  }
0x3b: {  	_ = 	snop  }
0x3c: {  	p2 =	seq.s32 s10, $0x1;
	s10 =	sld [smem:$0x3FBB]  }
0x3d: {  	_ =	shalt  }
0x3e: {  	_ =	shalt  }
0x3f: {  	_ =	shalt  }
0x40: {  	_ =	shalt  }
0x41: {  	_ =	shalt  }
0x42: {  	_ =	shalt  }
0x43: {  	_ =	shalt  }
0x44: {  	_ =	shalt  }
0x45: {  	_ =	shalt  }
0x46: {  	_ =	shalt  }
0x47: {  	_ =	shalt  }
0x48: {  	_ =	shalt  }
0x49: {  	_ =	shalt  }
0x4a: {  	_ =	shalt  }
0x4b: {  	_ =	shalt  }
0x4c: {  	_ =	shalt  }
0x4d: {  	_ =	shalt  }
0x4e: {  	_ =	shalt  }
0x4f: {  	_ =	shalt  }
0x50: {  	_ =	shalt  }
0x51: {  	_ =	shalt  }
0x52: {  	_ =	shalt  }
0x53: {  	_ =	shalt  }
0x54: {  	_ =	shalt  }
0x55: {  	_ =	shalt  }
0x56: {  	_ =	shalt  }
0x57: {  	_ =	shalt  }
0x58: {  	_ =	shalt  }
0x59: {  	_ =	shalt  }
0x5a: {  	_ =	shalt  }
0x5b: {  	_ =	shalt  }
0x5c: {  	_ =	shalt  }
0x5d: {  	_ =	shalt  }
0x5e: {  	_ =	shalt  }
0x5f: {  	_ =	shalt  }
0x60: {  	_ =	shalt  }
0x61: {  	_ =	shalt  }
0x62: {  	_ =	shalt  }
0x63: {  	_ =	shalt  }
0x64: {  	_ =	shalt  }
0x65: {  	_ =	shalt  }
0x66: {  	_ =	shalt  }
0x67: {  	_ =	shalt  }
0x68: {  	_ =	shalt  }
0x69: {  	_ =	shalt  }
0x6a: {  	_ =	shalt  }
0x6b: {  	_ =	shalt  }
0x6c: {  	_ =	shalt  }
0x6d: {  	_ =	shalt  }
0x6e: {  	_ =	shalt  }
0x6f: {  	_ =	shalt  }
0x70: {  	_ =	shalt  }
0x71: {  	_ =	shalt  }
0x72: {  	_ =	shalt  }
0x73: {  	_ =	shalt  }
0x74: {  	_ =	shalt  }
0x75: {  	_ =	shalt  }
0x76: {  	_ =	shalt  }
0x77: {  	_ =	shalt  }
0x78: {  	_ =	shalt  }
0x79: {  	_ =	shalt  }
0x7a: {  	_ =	shalt  }
0x7b: {  	_ =	shalt  }
0x7c: {  	_ =	shalt  }
0x7d: {  	_ =	shalt  }
0x7e: {  	_ =	shalt  }
0x7f: {  	_ =	shalt  }
0x80: {  	_ =	shalt  }
0x81: {  	_ =	shalt  }
0x82: {  	_ =	shalt  }
0x83: {  	_ =	shalt  }
0x84: {  	_ =	shalt  }
0x85: {  	_ =	shalt  }
0x86: {  	_ =	shalt  }
0x87: {  	_ =	shalt  }
.Lfunc_end0:
.L_simem_size_0:
called_computation_lowered:
.L_overlay_start_0:
0x88: {  	s2 =	sld [smem:$0x3FD9]  }
0x89: {  	s3 =	sld [smem:$0x3FFE];
	_ =	sdelay $0x1  }
0x8a: {  	s1 =	srdreg.scid  }
0x8b: {  	s0 =	sand.u32 $0x1, s1  }
0x8c: {  	s18 =	sshll.u32 s0, $0xA;
	s2 =	sadd.s32 s3, s2  }
0x8d: {  	s2 =	sadd.s32 s2, s18  }
0x8e: {  	[smem:$0x3FC7] =	sst s2  }
0x8f: {  	_ = 	snop  }
0x90: {  	s2 =	sld [smem:$0x3FC9]  }
0x91: {  	s19 =	sld [smem:$0x3FD0];
	(tm) =	ssettm $0x1  }
0x92: {  	s4 =	sld [smem:$0x3FFB];
	_ =	sdelay $0x3  }
0x93: {  	_ =	strace s4  }
0x94: {  	s4 =	sld [smem:$0x3FFC];
	_ =	sdelay $0x3  }
0x95: {  	_ =	strace s4  }
0x96: {  	s4 =	sld [smem:$0x3FFD];
	_ =	sdelay $0x3  }
0x97: {  	_ =	strace s4  }
0x98: {  	_ =	strace $0x8FFFFFFF  }
0x99: {  	s20 =	sld [smem:$0x3FDB];
	_ =	sdelay $0x1  }
0x9a: {  	s5 =	simm.s32 $_scs_section_size  }
0x9b: {  	s6 =	simm.s32 $_size__tile_overlayer_lowered;
	s7 =	simm.s32 $_tile_overlayer_lowered  }
0x9c: {  	s23 =	simm.s32 $0x1BFF;
	s22 =	sshll.u32 s7, $0x1;
	s4 =	sadd.s32 s5, s20  }
0x9d: {  	s8 =	simm.s32 $0x0;
	s21 =	sshll.u32 s6, $0x1;
	s6 =	sadd.s32 s22, s4  }
0x9e: {  	[timem:s8], [sflag:s23] =	dma.local [hbm:s6], s21  }
0x9f: {  	_ =	swait.ge [sflag:s23], s21  }
0xa0: {  	s5 =	ssub.s32 $0x0, s21;
	[sflag:s23] =	ssyncset.done $0x0  }
0xa1: {  	[sflag:s23] =	ssyncadd.s32 s5;
	_ =	sdelay $0x1  }
0xa2: {  	s24 =	simm.s32 $0x1B8B  }
0xa3: {  	_ =	swait.ge [sflag:s24], $0x1  }
0xa4: {  	[sflag:s24] =	ssyncset.done $0x0  }
0xa5: {  	s25 =	simm.s32 $0x1B8E;
	[sflag:s24] =	ssyncadd.s32 $0xFFFFFFFF  }
0xa6: {  	s26 =	simm.s32 $execute0_lowered;
	[smem:$0x3FD2] =	sst s25  }
0xa7: {  	s5 =	sshll.u32 s26, $0x1;
	_ =	strace $0x80000046;
	[dreg:$0x1] =	wrdreg $0xFFFFFFFF  }
0xa8: {  	s28 =	simm.s32 $_size_execute0_lowered;
	s4 =	sadd.s32 s4, s5;
	[dreg:$0x0] =	wrdreg $0x0  }
0xa9: {  	s5 =	sshll.u32 s28, $0x1;
	[dreg:$0x2] =	wrdreg s4  }
0xaa: {  	[dreg:$0x3] =	wrdreg s5  }
0xab: {  	[dreg:$0x4] =	wrdreg $0xC0  }
0xac: {  	_ =	task [dreg:s8], $0x5FFFF  }
0xad: {  	[dreg:$0x1] =	wrdreg $0xFFFFFFFF  }
0xae: {  	[dreg:$0x0] =	wrdreg $0x60  }
0xaf: {  	[dreg:$0x2] =	wrdreg s2  }
0xb0: {  	[dreg:$0x3] =	wrdreg s19  }
0xb1: {  	[dreg:$0x4] =	wrdreg $0x9  }
0xb2: {  	_ =	task.clear_ibuf [dreg:s8], $0x5FFFF;
	_ =	strace $0x90000046  }
0xb3: {  	s29 =	simm.s32 $0x9;
	_ =	strace $0x80000048  }
0xb4: {  	_ =	swait.ge [sflag:s29], $0x1  }
0xb5: {  	[sflag:s29] =	ssyncadd.s32 $0xFFFFFFFF  }
0xb6: {  	_ =	strace $0x90000048  }
0xb7: {  	_ =	sfence  }
0xb8: {  	s30 =	sld [smem:$0x0];
	_ =	sdelay $0x2  }
0xb9: {  	s31 =	sshll.u32 s1, $0xD;
	s1 =	sshrl.u32 s1, $0x2  }
0xba: {  	s3 =	sand.u32 $0x4000, s31;
	s1 =	sadd.s32 s1, s30  }
0xbb: {  	s0 =	sor.u32 s3, s0;
	s1 =	sshll.u32 s1, $0x11  }
0xbc: {  	s0 =	sor.u32 s1, s0  }
0xbd: {  	s0 =	sadd.s32 $0x8F2B, s0  }
0xbe: {  	[sflag:s0] =	ssyncadd.remote.s32 $0x1  }
0xbf: {  	_ =	sfence.sel $0xFFFF  }
0xc0: {  	[dreg:$0x0] =	wrdreg $0xFFFFFFFF;
	(pc) =	sbr.abs _section_cstart, $3  }
0xc1: {  	[dreg:$0x1] =	wrdreg $0xFFFFFFFF  }
0xc2: {  	_ =	task.clear_ibuf [dreg:s8], $0x2FFFF;
	_ =	strace $0x9FFFFFFF  }
0xc3: {  	(tm) =	ssettm $0x7FFFFFFF  }
tec
execute0_lowered:
.L_overlay_start_1:
0x0: {  	(tag) =	ssettag $0x1  }
0x1: {  	s0 =	rddreg [dreg:$0x0]  }
0x2: {  	s3 =	rddreg [dreg:$0x1]  }
0x3: {  	s2 =	simm.s32 $0x0;
	s4 =	srdreg.scid;
	s1 =	stileid.u32  }
0x4: {  	p0 =	por $0x0, $0x0;
	[smem:$0x7FF] =	sst s2;
	s4 =	sand.u32 $0x1, s4  }
0x5: {  	s6 =	sshll.u32 s1, $0x10;
	s5 =	ssub.s32 $0x2, s4;
	s4 =	sshll.u32 s4, $0xF  }
0x6: {  	_ =	strace $0x80000047;
	s7 =	sshrl.u32 s5, $0x1;
	s4 =	sor.u32 s4, s6  }
0x7: {  	s10 =	ssub.s32 s5, s7;
	s11 =	sadd.s32 s0, s4;
	s6 =	sor.u32 $0x1C00, s4  }
0x8: {  	s25 =	sadd.s32 s3, s4;
	s12 =	sor.u32 $0x3800, s4;
	s13 =	sor.u32 $0x5400, s4  }
0x9: {  	s4 =	sor.u32 $0x7000, s4;
	[dreg:$0x3] =	wrdreg s11;
	s30 =	sadd.s32 s0, s6  }
0xa: {  	s26 =	sadd.s32 $0x100000, s25;
	s28 =	sadd.s32 $0x200000, s25;
	s29 =	sadd.s32 $0x300000, s25  }
0xb: {  	s24 =	sadd.s32 s0, s12;
	s20 =	sadd.s32 $0x101C00, s25;
	s22 =	sadd.s32 s3, s6  }
0xc: {  	s21 =	sadd.s32 $0x201C00, s25;
	s23 =	sadd.s32 $0x301C00, s25;
	s19 =	sadd.s32 s0, s13  }
0xd: {  	s15 =	sadd.s32 $0x103800, s25;
	s17 =	sadd.s32 s3, s12;
	s14 =	smax.u32 s10, $0x1  }
0xe: {  	s16 =	sadd.s32 $0x203800, s25;
	s18 =	sadd.s32 $0x303800, s25;
	p1 =	sne.s32 s14, $0x1  }
.Ltmp0:
0xf: {  	s12 =	sadd.s32 s0, s4;
	s6 =	sadd.s32 $0x105400, s25;
	(pc) =	sbr.rel @!p1 .LBB2_3-.Ltmp0, $4  }
0x10: {  	s9 =	sadd.s32 s3, s13;
	s7 =	sadd.s32 $0x205400, s25;
	s8 =	sadd.s32 $0x305400, s25  }
0x11: {  	s4 =	sadd.s32 s3, s4;
	s5 =	sadd.s32 $0x107000, s25;
	s10 =	sadd.s32 $0x207000, s25  }
0x12: {  	s11 =	sadd.s32 $0x307000, s25;
	s13 =	simm.s32 $0x1;
	s3 =	simm.s32 $0x2  }
0x13: {  	s31 =	sadd.s32 $0xFFFFFFFF, s14;
	s14 =	simm.s32 $0xE000;
	s0 =	rddreg [dreg:$0x3]  }
0x14: {  	[tilespmem:s2], [sflag:$0x1] =	stream.linear.gather [hbm4b:s0+s2], $0xE000, $0x38;
	[tilespmem:$0x1C000] =	vst v63  }
0x15: {  	_ = 	snop  }
0x16: {  	[tilespmem:s14], [sflag:$0x1] =	stream.linear.gather [hbm4b:s30+s2], $0xE000, $0x38;
	[tilespmem:$0x1C000] =	vst v63  }
0x17: {  	_ =	swait.ge [sflag:s13], $0xE000  }
0x18: {  	[sflag:s13] =	ssyncset.done $0x0  }
0x19: {  	[sflag:s13] =	ssyncadd.s32 $0xFFFF2000  }
0x1a: {  	[hbm4b:s25+s2] =	stream.linear.scatter [tilespmem:s2], [sflag:$0x2], $0xE000, $0x38;
	[tilespmem:$0x1C000] =	vst v63  }
0x1b: {  	_ = 	snop  }
0x1c: {  	[hbm4b:s26+s2] =	stream.linear.scatter [tilespmem:s2], [sflag:$0x2], $0xE000, $0x38;
	[tilespmem:$0x1C000] =	vst v63  }
0x1d: {  	_ = 	snop  }
0x1e: {  	[hbm4b:s28+s2] =	stream.linear.scatter [tilespmem:s2], [sflag:$0x2], $0xE000, $0x38;
	[tilespmem:$0x1C000] =	vst v63  }
0x1f: {  	_ = 	snop  }
0x20: {  	[hbm4b:s29+s2] =	stream.linear.scatter [tilespmem:s2], [sflag:$0x2], $0xE000, $0x38;
	[tilespmem:$0x1C000] =	vst v63  }
0x21: {  	_ =	swait.ge [sflag:s3], $0xE000  }
0x22: {  	[sflag:s3] =	ssyncset.done $0x0  }
0x23: {  	[sflag:s3] =	ssyncadd.s32 $0xFFFF2000  }
0x24: {  	_ =	swait.ge [sflag:s3], $0xE000  }
0x25: {  	[sflag:s3] =	ssyncset.done $0x0  }
0x26: {  	[sflag:s3] =	ssyncadd.s32 $0xFFFF2000  }
0x27: {  	_ =	swait.ge [sflag:s3], $0xE000  }
0x28: {  	[sflag:s3] =	ssyncset.done $0x0  }
0x29: {  	[sflag:s3] =	ssyncadd.s32 $0xFFFF2000  }
0x2a: {  	_ =	swait.ge [sflag:s3], $0xE000  }
0x2b: {  	[sflag:s3] =	ssyncset.done $0x0  }
0x2c: {  	[sflag:s3] =	ssyncadd.s32 $0xFFFF2000  }
0x2d: {  	[tilespmem:s2], [sflag:$0x1] =	stream.linear.gather [hbm4b:s24+s2], $0xE000, $0x38;
	[tilespmem:$0x1C000] =	vst v63  }
0x2e: {  	_ =	swait.ge [sflag:s13], $0xE000  }
0x2f: {  	[sflag:s13] =	ssyncset.done $0x0  }
0x30: {  	[sflag:s13] =	ssyncadd.s32 $0xFFFF2000  }
0x31: {  	[hbm4b:s22+s2] =	stream.linear.scatter [tilespmem:s14], [sflag:$0x2], $0xE000, $0x38;
	[tilespmem:$0x1C000] =	vst v63  }
0x32: {  	_ = 	snop  }
0x33: {  	[hbm4b:s20+s2] =	stream.linear.scatter [tilespmem:s14], [sflag:$0x2], $0xE000, $0x38;
	[tilespmem:$0x1C000] =	vst v63  }
0x34: {  	_ = 	snop  }
0x35: {  	[hbm4b:s21+s2] =	stream.linear.scatter [tilespmem:s14], [sflag:$0x2], $0xE000, $0x38;
	[tilespmem:$0x1C000] =	vst v63  }
0x36: {  	_ = 	snop  }
0x37: {  	[hbm4b:s23+s2] =	stream.linear.scatter [tilespmem:s14], [sflag:$0x2], $0xE000, $0x38;
	[tilespmem:$0x1C000] =	vst v63  }
0x38: {  	_ =	swait.ge [sflag:s3], $0xE000  }
0x39: {  	[sflag:s3] =	ssyncset.done $0x0  }
0x3a: {  	[sflag:s3] =	ssyncadd.s32 $0xFFFF2000  }
0x3b: {  	_ =	swait.ge [sflag:s3], $0xE000  }
0x3c: {  	[sflag:s3] =	ssyncset.done $0x0  }
0x3d: {  	[sflag:s3] =	ssyncadd.s32 $0xFFFF2000  }
0x3e: {  	_ =	swait.ge [sflag:s3], $0xE000  }
0x3f: {  	[sflag:s3] =	ssyncset.done $0x0  }
0x40: {  	[sflag:s3] =	ssyncadd.s32 $0xFFFF2000  }
0x41: {  	_ =	swait.ge [sflag:s3], $0xE000  }
0x42: {  	[sflag:s3] =	ssyncset.done $0x0  }
0x43: {  	[sflag:s3] =	ssyncadd.s32 $0xFFFF2000  }
0x44: {  	[tilespmem:s14], [sflag:$0x1] =	stream.linear.gather [hbm4b:s19+s2], $0xE000, $0x38;
	[tilespmem:$0x1C000] =	vst v63  }
0x45: {  	_ =	swait.ge [sflag:s13], $0xE000  }
0x46: {  	[sflag:s13] =	ssyncset.done $0x0  }
0x47: {  	[sflag:s13] =	ssyncadd.s32 $0xFFFF2000  }
0x48: {  	[hbm4b:s17+s2] =	stream.linear.scatter [tilespmem:s2], [sflag:$0x2], $0xE000, $0x38;
	[tilespmem:$0x1C000] =	vst v63  }
0x49: {  	_ = 	snop  }
0x4a: {  	[hbm4b:s15+s2] =	stream.linear.scatter [tilespmem:s2], [sflag:$0x2], $0xE000, $0x38;
	[tilespmem:$0x1C000] =	vst v63  }
0x4b: {  	_ = 	snop  }
0x4c: {  	[hbm4b:s16+s2] =	stream.linear.scatter [tilespmem:s2], [sflag:$0x2], $0xE000, $0x38;
	[tilespmem:$0x1C000] =	vst v63  }
0x4d: {  	_ = 	snop  }
0x4e: {  	[hbm4b:s18+s2] =	stream.linear.scatter [tilespmem:s2], [sflag:$0x2], $0xE000, $0x38;
	[tilespmem:$0x1C000] =	vst v63  }
0x4f: {  	_ =	swait.ge [sflag:s3], $0xE000  }
0x50: {  	[sflag:s3] =	ssyncset.done $0x0  }
0x51: {  	[sflag:s3] =	ssyncadd.s32 $0xFFFF2000  }
0x52: {  	_ =	swait.ge [sflag:s3], $0xE000  }
0x53: {  	[sflag:s3] =	ssyncset.done $0x0  }
0x54: {  	[sflag:s3] =	ssyncadd.s32 $0xFFFF2000  }
0x55: {  	_ =	swait.ge [sflag:s3], $0xE000  }
0x56: {  	[sflag:s3] =	ssyncset.done $0x0  }
0x57: {  	[sflag:s3] =	ssyncadd.s32 $0xFFFF2000  }
0x58: {  	_ =	swait.ge [sflag:s3], $0xE000  }
0x59: {  	[sflag:s3] =	ssyncset.done $0x0  }
0x5a: {  	[sflag:s3] =	ssyncadd.s32 $0xFFFF2000  }
0x5b: {  	[tilespmem:s2], [sflag:$0x1] =	stream.linear.gather [hbm4b:s12+s2], $0x8000, $0x38;
	[tilespmem:$0x1C000] =	vst v63  }
0x5c: {  	_ =	swait.ge [sflag:s13], $0xE000  }
0x5d: {  	[sflag:s13] =	ssyncset.done $0x0  }
0x5e: {  	[sflag:s13] =	ssyncadd.s32 $0xFFFF2000  }
0x5f: {  	[hbm4b:s9+s2] =	stream.linear.scatter [tilespmem:s14], [sflag:$0x2], $0xE000, $0x38;
	[tilespmem:$0x1C000] =	vst v63  }
0x60: {  	_ = 	snop  }
0x61: {  	[hbm4b:s6+s2] =	stream.linear.scatter [tilespmem:s14], [sflag:$0x2], $0xE000, $0x38;
	[tilespmem:$0x1C000] =	vst v63  }
0x62: {  	_ = 	snop  }
0x63: {  	[hbm4b:s7+s2] =	stream.linear.scatter [tilespmem:s14], [sflag:$0x2], $0xE000, $0x38;
	[tilespmem:$0x1C000] =	vst v63  }
0x64: {  	_ = 	snop  }
0x65: {  	[hbm4b:s8+s2] =	stream.linear.scatter [tilespmem:s14], [sflag:$0x2], $0xE000, $0x38;
	[tilespmem:$0x1C000] =	vst v63  }
0x66: {  	_ =	swait.ge [sflag:s13], $0x8000  }
0x67: {  	[sflag:s13] =	ssyncset.done $0x0  }
0x68: {  	[sflag:s13] =	ssyncadd.s32 $0xFFFF8000  }
0x69: {  	[hbm4b:s4+s2] =	stream.linear.scatter [tilespmem:s2], [sflag:$0x2], $0x8000, $0x38;
	[tilespmem:$0x1C000] =	vst v63  }
0x6a: {  	_ = 	snop  }
0x6b: {  	[hbm4b:s5+s2] =	stream.linear.scatter [tilespmem:s2], [sflag:$0x2], $0x8000, $0x38;
	[tilespmem:$0x1C000] =	vst v63  }
0x6c: {  	_ = 	snop  }
0x6d: {  	[hbm4b:s10+s2] =	stream.linear.scatter [tilespmem:s2], [sflag:$0x2], $0x8000, $0x38;
	[tilespmem:$0x1C000] =	vst v63  }
0x6e: {  	_ = 	snop  }
0x6f: {  	[hbm4b:s11+s2] =	stream.linear.scatter [tilespmem:s2], [sflag:$0x2], $0x8000, $0x38;
	[tilespmem:$0x1C000] =	vst v63  }
0x70: {  	_ =	swait.ge [sflag:s3], $0xE000  }
0x71: {  	[sflag:s3] =	ssyncset.done $0x0  }
0x72: {  	[sflag:s3] =	ssyncadd.s32 $0xFFFF2000  }
0x73: {  	_ =	swait.ge [sflag:s3], $0xE000  }
0x74: {  	[sflag:s3] =	ssyncset.done $0x0  }
0x75: {  	[sflag:s3] =	ssyncadd.s32 $0xFFFF2000  }
0x76: {  	_ =	swait.ge [sflag:s3], $0xE000  }
0x77: {  	[sflag:s3] =	ssyncset.done $0x0  }
0x78: {  	[sflag:s3] =	ssyncadd.s32 $0xFFFF2000  }
0x79: {  	_ =	swait.ge [sflag:s3], $0xE000  }
0x7a: {  	[sflag:s3] =	ssyncset.done $0x0  }
0x7b: {  	[sflag:s3] =	ssyncadd.s32 $0xFFFF2000  }
0x7c: {  	_ =	swait.ge [sflag:s3], $0x8000  }
0x7d: {  	[sflag:s3] =	ssyncset.done $0x0  }
0x7e: {  	[sflag:s3] =	ssyncadd.s32 $0xFFFF8000  }
0x7f: {  	_ =	swait.ge [sflag:s3], $0x8000  }
0x80: {  	[sflag:s3] =	ssyncset.done $0x0  }
0x81: {  	p1 =	sne.s32 s31, $0x1;
	[sflag:s3] =	ssyncadd.s32 $0xFFFF8000  }
.Ltmp1:
0x82: {  	_ =	swait.ge [sflag:s3], $0x8000;
	(pc) =	sbr.rel @!p1 .LBB2_3-.Ltmp1, $4  }
0x83: {  	[sflag:s3] =	ssyncset.done $0x0  }
0x84: {  	[sflag:s3] =	ssyncadd.s32 $0xFFFF8000  }
0x85: {  	s31 =	sadd.s32 $0xFFFFFFFF, s31;
	_ =	swait.ge [sflag:s3], $0x8000  }
0x86: {  	p0 =	por $0x1, $0x1;
	s0 =	rddreg [dreg:$0x3];
	[sflag:s3] =	ssyncset.done $0x0  }
.LBB2_2:
0x87: {  	[sflag:s3] =	ssyncadd.s32 $0xFFFF8000  }
0x88: {  	[tilespmem:s2], [sflag:$0x1] =	stream.linear.gather [hbm4b:s0+s2], $0xE000, $0x38;
	[tilespmem:$0x1C000] =	vst v63  }
0x89: {  	_ = 	snop  }
0x8a: {  	[tilespmem:s14], [sflag:$0x1] =	stream.linear.gather [hbm4b:s30+s2], $0xE000, $0x38;
	[tilespmem:$0x1C000] =	vst v63  }
0x8b: {  	_ =	swait.ge [sflag:s13], $0xE000  }
0x8c: {  	[sflag:s13] =	ssyncset.done $0x0  }
0x8d: {  	[sflag:s13] =	ssyncadd.s32 $0xFFFF2000  }
0x8e: {  	[hbm4b:s25+s2] =	stream.linear.scatter [tilespmem:s2], [sflag:$0x2], $0xE000, $0x38;
	[tilespmem:$0x1C000] =	vst v63  }
0x8f: {  	_ = 	snop  }
0x90: {  	[hbm4b:s26+s2] =	stream.linear.scatter [tilespmem:s2], [sflag:$0x2], $0xE000, $0x38;
	[tilespmem:$0x1C000] =	vst v63  }
0x91: {  	_ = 	snop  }
0x92: {  	[hbm4b:s28+s2] =	stream.linear.scatter [tilespmem:s2], [sflag:$0x2], $0xE000, $0x38;
	[tilespmem:$0x1C000] =	vst v63  }
0x93: {  	_ = 	snop  }
0x94: {  	[hbm4b:s29+s2] =	stream.linear.scatter [tilespmem:s2], [sflag:$0x2], $0xE000, $0x38;
	[tilespmem:$0x1C000] =	vst v63  }
0x95: {  	_ =	swait.ge [sflag:s3], $0xE000  }
0x96: {  	[sflag:s3] =	ssyncset.done $0x0  }
0x97: {  	[sflag:s3] =	ssyncadd.s32 $0xFFFF2000  }
0x98: {  	_ =	swait.ge [sflag:s3], $0xE000  }
0x99: {  	[sflag:s3] =	ssyncset.done $0x0  }
0x9a: {  	[sflag:s3] =	ssyncadd.s32 $0xFFFF2000  }
0x9b: {  	_ =	swait.ge [sflag:s3], $0xE000  }
0x9c: {  	[sflag:s3] =	ssyncset.done $0x0  }
0x9d: {  	[sflag:s3] =	ssyncadd.s32 $0xFFFF2000  }
0x9e: {  	_ =	swait.ge [sflag:s3], $0xE000  }
0x9f: {  	[sflag:s3] =	ssyncset.done $0x0  }
0xa0: {  	[sflag:s3] =	ssyncadd.s32 $0xFFFF2000  }
0xa1: {  	[tilespmem:s2], [sflag:$0x1] =	stream.linear.gather [hbm4b:s24+s2], $0xE000, $0x38;
	[tilespmem:$0x1C000] =	vst v63  }
0xa2: {  	_ =	swait.ge [sflag:s13], $0xE000  }
0xa3: {  	[sflag:s13] =	ssyncset.done $0x0  }
0xa4: {  	[sflag:s13] =	ssyncadd.s32 $0xFFFF2000  }
0xa5: {  	[hbm4b:s22+s2] =	stream.linear.scatter [tilespmem:s14], [sflag:$0x2], $0xE000, $0x38;
	[tilespmem:$0x1C000] =	vst v63  }
0xa6: {  	_ = 	snop  }
0xa7: {  	[hbm4b:s20+s2] =	stream.linear.scatter [tilespmem:s14], [sflag:$0x2], $0xE000, $0x38;
	[tilespmem:$0x1C000] =	vst v63  }
0xa8: {  	_ = 	snop  }
0xa9: {  	[hbm4b:s21+s2] =	stream.linear.scatter [tilespmem:s14], [sflag:$0x2], $0xE000, $0x38;
	[tilespmem:$0x1C000] =	vst v63  }
0xaa: {  	_ = 	snop  }
0xab: {  	[hbm4b:s23+s2] =	stream.linear.scatter [tilespmem:s14], [sflag:$0x2], $0xE000, $0x38;
	[tilespmem:$0x1C000] =	vst v63  }
0xac: {  	_ =	swait.ge [sflag:s3], $0xE000  }
0xad: {  	[sflag:s3] =	ssyncset.done $0x0  }
0xae: {  	[sflag:s3] =	ssyncadd.s32 $0xFFFF2000  }
0xaf: {  	_ =	swait.ge [sflag:s3], $0xE000  }
0xb0: {  	[sflag:s3] =	ssyncset.done $0x0  }
0xb1: {  	[sflag:s3] =	ssyncadd.s32 $0xFFFF2000  }
0xb2: {  	_ =	swait.ge [sflag:s3], $0xE000  }
0xb3: {  	[sflag:s3] =	ssyncset.done $0x0  }
0xb4: {  	[sflag:s3] =	ssyncadd.s32 $0xFFFF2000  }
0xb5: {  	_ =	swait.ge [sflag:s3], $0xE000  }
0xb6: {  	[sflag:s3] =	ssyncset.done $0x0  }
0xb7: {  	[sflag:s3] =	ssyncadd.s32 $0xFFFF2000  }
0xb8: {  	[tilespmem:s14], [sflag:$0x1] =	stream.linear.gather [hbm4b:s19+s2], $0xE000, $0x38;
	[tilespmem:$0x1C000] =	vst v63  }
0xb9: {  	_ =	swait.ge [sflag:s13], $0xE000  }
0xba: {  	[sflag:s13] =	ssyncset.done $0x0  }
0xbb: {  	[sflag:s13] =	ssyncadd.s32 $0xFFFF2000  }
0xbc: {  	[hbm4b:s17+s2] =	stream.linear.scatter [tilespmem:s2], [sflag:$0x2], $0xE000, $0x38;
	[tilespmem:$0x1C000] =	vst v63  }
0xbd: {  	_ = 	snop  }
0xbe: {  	[hbm4b:s15+s2] =	stream.linear.scatter [tilespmem:s2], [sflag:$0x2], $0xE000, $0x38;
	[tilespmem:$0x1C000] =	vst v63  }
0xbf: {  	_ = 	snop  }
0xc0: {  	[hbm4b:s16+s2] =	stream.linear.scatter [tilespmem:s2], [sflag:$0x2], $0xE000, $0x38;
	[tilespmem:$0x1C000] =	vst v63  }
0xc1: {  	_ = 	snop  }
0xc2: {  	[hbm4b:s18+s2] =	stream.linear.scatter [tilespmem:s2], [sflag:$0x2], $0xE000, $0x38;
	[tilespmem:$0x1C000] =	vst v63  }
0xc3: {  	_ =	swait.ge [sflag:s3], $0xE000  }
0xc4: {  	[sflag:s3] =	ssyncset.done $0x0  }
0xc5: {  	[sflag:s3] =	ssyncadd.s32 $0xFFFF2000  }
0xc6: {  	_ =	swait.ge [sflag:s3], $0xE000  }
0xc7: {  	[sflag:s3] =	ssyncset.done $0x0  }
0xc8: {  	[sflag:s3] =	ssyncadd.s32 $0xFFFF2000  }
0xc9: {  	_ =	swait.ge [sflag:s3], $0xE000  }
0xca: {  	[sflag:s3] =	ssyncset.done $0x0  }
0xcb: {  	[sflag:s3] =	ssyncadd.s32 $0xFFFF2000  }
0xcc: {  	_ =	swait.ge [sflag:s3], $0xE000  }
0xcd: {  	[sflag:s3] =	ssyncset.done $0x0  }
0xce: {  	[sflag:s3] =	ssyncadd.s32 $0xFFFF2000  }
0xcf: {  	[tilespmem:s2], [sflag:$0x1] =	stream.linear.gather [hbm4b:s12+s2], $0x8000, $0x38;
	[tilespmem:$0x1C000] =	vst v63  }
0xd0: {  	_ =	swait.ge [sflag:s13], $0xE000  }
0xd1: {  	[sflag:s13] =	ssyncset.done $0x0  }
0xd2: {  	[sflag:s13] =	ssyncadd.s32 $0xFFFF2000  }
0xd3: {  	[hbm4b:s9+s2] =	stream.linear.scatter [tilespmem:s14], [sflag:$0x2], $0xE000, $0x38;
	[tilespmem:$0x1C000] =	vst v63  }
0xd4: {  	_ = 	snop  }
0xd5: {  	[hbm4b:s6+s2] =	stream.linear.scatter [tilespmem:s14], [sflag:$0x2], $0xE000, $0x38;
	[tilespmem:$0x1C000] =	vst v63  }
0xd6: {  	_ = 	snop  }
0xd7: {  	[hbm4b:s7+s2] =	stream.linear.scatter [tilespmem:s14], [sflag:$0x2], $0xE000, $0x38;
	[tilespmem:$0x1C000] =	vst v63  }
0xd8: {  	_ = 	snop  }
0xd9: {  	[hbm4b:s8+s2] =	stream.linear.scatter [tilespmem:s14], [sflag:$0x2], $0xE000, $0x38;
	[tilespmem:$0x1C000] =	vst v63  }
0xda: {  	_ =	swait.ge [sflag:s13], $0x8000  }
0xdb: {  	[sflag:s13] =	ssyncset.done $0x0  }
0xdc: {  	[sflag:s13] =	ssyncadd.s32 $0xFFFF8000  }
0xdd: {  	[hbm4b:s4+s2] =	stream.linear.scatter [tilespmem:s2], [sflag:$0x2], $0x8000, $0x38;
	[tilespmem:$0x1C000] =	vst v63  }
0xde: {  	_ = 	snop  }
0xdf: {  	[hbm4b:s5+s2] =	stream.linear.scatter [tilespmem:s2], [sflag:$0x2], $0x8000, $0x38;
	[tilespmem:$0x1C000] =	vst v63  }
0xe0: {  	_ = 	snop  }
0xe1: {  	[hbm4b:s10+s2] =	stream.linear.scatter [tilespmem:s2], [sflag:$0x2], $0x8000, $0x38;
	[tilespmem:$0x1C000] =	vst v63  }
0xe2: {  	_ = 	snop  }
0xe3: {  	[hbm4b:s11+s2] =	stream.linear.scatter [tilespmem:s2], [sflag:$0x2], $0x8000, $0x38;
	[tilespmem:$0x1C000] =	vst v63  }
0xe4: {  	_ =	swait.ge [sflag:s3], $0xE000  }
0xe5: {  	[sflag:s3] =	ssyncset.done $0x0  }
0xe6: {  	[sflag:s3] =	ssyncadd.s32 $0xFFFF2000  }
0xe7: {  	_ =	swait.ge [sflag:s3], $0xE000  }
0xe8: {  	[sflag:s3] =	ssyncset.done $0x0  }
0xe9: {  	[sflag:s3] =	ssyncadd.s32 $0xFFFF2000  }
0xea: {  	_ =	swait.ge [sflag:s3], $0xE000  }
0xeb: {  	[sflag:s3] =	ssyncset.done $0x0  }
0xec: {  	[sflag:s3] =	ssyncadd.s32 $0xFFFF2000  }
0xed: {  	_ =	swait.ge [sflag:s3], $0xE000  }
0xee: {  	[sflag:s3] =	ssyncset.done $0x0  }
0xef: {  	[sflag:s3] =	ssyncadd.s32 $0xFFFF2000  }
0xf0: {  	_ =	swait.ge [sflag:s3], $0x8000  }
0xf1: {  	[sflag:s3] =	ssyncset.done $0x0  }
0xf2: {  	[sflag:s3] =	ssyncadd.s32 $0xFFFF8000  }
0xf3: {  	_ =	swait.ge [sflag:s3], $0x8000  }
0xf4: {  	[sflag:s3] =	ssyncset.done $0x0  }
0xf5: {  	p1 =	sne.s32 s31, $0x1;
	[sflag:s3] =	ssyncadd.s32 $0xFFFF8000  }
.Ltmp2:
0xf6: {  	_ =	swait.ge [sflag:s3], $0x8000;
	(pc) =	sbr.rel @p1 .LBB2_2-.Ltmp2, $4  }
0xf7: {  	[sflag:s3] =	ssyncset.done $0x0  }
0xf8: {  	[sflag:s3] =	ssyncadd.s32 $0xFFFF8000  }
0xf9: {  	_ =	swait.ge [sflag:s3], $0x8000  }
0xfa: {  	s31 =	sadd.s32 $0xFFFFFFFF, s31;
	s0 =	rddreg [dreg:$0x3];
	[sflag:s3] =	ssyncset.done $0x0  }
.LBB2_3:
0xfb: {  	[sflag:s3] =	ssyncadd.s32 @p0 $0xFFFF8000  }
0xfc: {  	[tilespmem:s2], [sflag:$0x1] =	stream.linear.gather [hbm4b:s0+s2], $0xE000, $0x38;
	[tilespmem:$0x1C000] =	vst v63  }
0xfd: {  	_ = 	snop  }
0xfe: {  	[tilespmem:s14], [sflag:$0x1] =	stream.linear.gather [hbm4b:s30+s2], $0xE000, $0x38;
	[tilespmem:$0x1C000] =	vst v63  }
0xff: {  	_ =	swait.ge [sflag:s13], $0xE000  }
0x100: {  	[sflag:s13] =	ssyncset.done $0x0  }
0x101: {  	[sflag:s13] =	ssyncadd.s32 $0xFFFF2000  }
0x102: {  	[hbm4b:s25+s2] =	stream.linear.scatter [tilespmem:s2], [sflag:$0x2], $0xE000, $0x38;
	[tilespmem:$0x1C000] =	vst v63  }
0x103: {  	_ = 	snop  }
0x104: {  	[hbm4b:s26+s2] =	stream.linear.scatter [tilespmem:s2], [sflag:$0x2], $0xE000, $0x38;
	[tilespmem:$0x1C000] =	vst v63  }
0x105: {  	_ = 	snop  }
0x106: {  	[hbm4b:s28+s2] =	stream.linear.scatter [tilespmem:s2], [sflag:$0x2], $0xE000, $0x38;
	[tilespmem:$0x1C000] =	vst v63  }
0x107: {  	_ = 	snop  }
0x108: {  	[hbm4b:s29+s2] =	stream.linear.scatter [tilespmem:s2], [sflag:$0x2], $0xE000, $0x38;
	[tilespmem:$0x1C000] =	vst v63  }
0x109: {  	_ =	swait.ge [sflag:s3], $0xE000  }
0x10a: {  	[sflag:s3] =	ssyncset.done $0x0  }
0x10b: {  	[sflag:s3] =	ssyncadd.s32 $0xFFFF2000  }
0x10c: {  	_ =	swait.ge [sflag:s3], $0xE000  }
0x10d: {  	[sflag:s3] =	ssyncset.done $0x0  }
0x10e: {  	[sflag:s3] =	ssyncadd.s32 $0xFFFF2000  }
0x10f: {  	_ =	swait.ge [sflag:s3], $0xE000  }
0x110: {  	[sflag:s3] =	ssyncset.done $0x0  }
0x111: {  	[sflag:s3] =	ssyncadd.s32 $0xFFFF2000  }
0x112: {  	_ =	swait.ge [sflag:s3], $0xE000  }
0x113: {  	[sflag:s3] =	ssyncset.done $0x0  }
0x114: {  	[sflag:s3] =	ssyncadd.s32 $0xFFFF2000  }
0x115: {  	[tilespmem:s2], [sflag:$0x1] =	stream.linear.gather [hbm4b:s24+s2], $0xE000, $0x38;
	[tilespmem:$0x1C000] =	vst v63  }
0x116: {  	_ =	swait.ge [sflag:s13], $0xE000  }
0x117: {  	[sflag:s13] =	ssyncset.done $0x0  }
0x118: {  	[sflag:s13] =	ssyncadd.s32 $0xFFFF2000  }
0x119: {  	[hbm4b:s22+s2] =	stream.linear.scatter [tilespmem:s14], [sflag:$0x2], $0xE000, $0x38;
	[tilespmem:$0x1C000] =	vst v63  }
0x11a: {  	_ = 	snop  }
0x11b: {  	[hbm4b:s20+s2] =	stream.linear.scatter [tilespmem:s14], [sflag:$0x2], $0xE000, $0x38;
	[tilespmem:$0x1C000] =	vst v63  }
0x11c: {  	_ = 	snop  }
0x11d: {  	[hbm4b:s21+s2] =	stream.linear.scatter [tilespmem:s14], [sflag:$0x2], $0xE000, $0x38;
	[tilespmem:$0x1C000] =	vst v63  }
0x11e: {  	_ = 	snop  }
0x11f: {  	[hbm4b:s23+s2] =	stream.linear.scatter [tilespmem:s14], [sflag:$0x2], $0xE000, $0x38;
	[tilespmem:$0x1C000] =	vst v63  }
0x120: {  	_ =	swait.ge [sflag:s3], $0xE000  }
0x121: {  	[sflag:s3] =	ssyncset.done $0x0  }
0x122: {  	[sflag:s3] =	ssyncadd.s32 $0xFFFF2000  }
0x123: {  	_ =	swait.ge [sflag:s3], $0xE000  }
0x124: {  	[sflag:s3] =	ssyncset.done $0x0  }
0x125: {  	[sflag:s3] =	ssyncadd.s32 $0xFFFF2000  }
0x126: {  	_ =	swait.ge [sflag:s3], $0xE000  }
0x127: {  	[sflag:s3] =	ssyncset.done $0x0  }
0x128: {  	[sflag:s3] =	ssyncadd.s32 $0xFFFF2000  }
0x129: {  	_ =	swait.ge [sflag:s3], $0xE000  }
0x12a: {  	[sflag:s3] =	ssyncset.done $0x0  }
0x12b: {  	[sflag:s3] =	ssyncadd.s32 $0xFFFF2000  }
0x12c: {  	[tilespmem:s14], [sflag:$0x1] =	stream.linear.gather [hbm4b:s19+s2], $0xE000, $0x38;
	[tilespmem:$0x1C000] =	vst v63  }
0x12d: {  	_ =	swait.ge [sflag:s13], $0xE000  }
0x12e: {  	[sflag:s13] =	ssyncset.done $0x0  }
0x12f: {  	[sflag:s13] =	ssyncadd.s32 $0xFFFF2000  }
0x130: {  	[hbm4b:s17+s2] =	stream.linear.scatter [tilespmem:s2], [sflag:$0x2], $0xE000, $0x38;
	[tilespmem:$0x1C000] =	vst v63  }
0x131: {  	_ = 	snop  }
0x132: {  	[hbm4b:s15+s2] =	stream.linear.scatter [tilespmem:s2], [sflag:$0x2], $0xE000, $0x38;
	[tilespmem:$0x1C000] =	vst v63  }
0x133: {  	_ = 	snop  }
0x134: {  	[hbm4b:s16+s2] =	stream.linear.scatter [tilespmem:s2], [sflag:$0x2], $0xE000, $0x38;
	[tilespmem:$0x1C000] =	vst v63  }
0x135: {  	_ = 	snop  }
0x136: {  	[hbm4b:s18+s2] =	stream.linear.scatter [tilespmem:s2], [sflag:$0x2], $0xE000, $0x38;
	[tilespmem:$0x1C000] =	vst v63  }
0x137: {  	_ =	swait.ge [sflag:s3], $0xE000  }
0x138: {  	[sflag:s3] =	ssyncset.done $0x0  }
0x139: {  	[sflag:s3] =	ssyncadd.s32 $0xFFFF2000  }
0x13a: {  	_ =	swait.ge [sflag:s3], $0xE000  }
0x13b: {  	[sflag:s3] =	ssyncset.done $0x0  }
0x13c: {  	[sflag:s3] =	ssyncadd.s32 $0xFFFF2000  }
0x13d: {  	_ =	swait.ge [sflag:s3], $0xE000  }
0x13e: {  	[sflag:s3] =	ssyncset.done $0x0  }
0x13f: {  	[sflag:s3] =	ssyncadd.s32 $0xFFFF2000  }
0x140: {  	_ =	swait.ge [sflag:s3], $0xE000  }
0x141: {  	[sflag:s3] =	ssyncset.done $0x0  }
0x142: {  	[sflag:s3] =	ssyncadd.s32 $0xFFFF2000  }
0x143: {  	[tilespmem:s2], [sflag:$0x1] =	stream.linear.gather [hbm4b:s12+s2], $0x8000, $0x38;
	[tilespmem:$0x1C000] =	vst v63  }
0x144: {  	_ =	swait.ge [sflag:s13], $0xE000  }
0x145: {  	[sflag:s13] =	ssyncset.done $0x0  }
0x146: {  	[sflag:s13] =	ssyncadd.s32 $0xFFFF2000  }
0x147: {  	[hbm4b:s9+s2] =	stream.linear.scatter [tilespmem:s14], [sflag:$0x2], $0xE000, $0x38;
	[tilespmem:$0x1C000] =	vst v63  }
0x148: {  	_ = 	snop  }
0x149: {  	[hbm4b:s6+s2] =	stream.linear.scatter [tilespmem:s14], [sflag:$0x2], $0xE000, $0x38;
	[tilespmem:$0x1C000] =	vst v63  }
0x14a: {  	_ = 	snop  }
0x14b: {  	[hbm4b:s7+s2] =	stream.linear.scatter [tilespmem:s14], [sflag:$0x2], $0xE000, $0x38;
	[tilespmem:$0x1C000] =	vst v63  }
0x14c: {  	_ = 	snop  }
0x14d: {  	[hbm4b:s8+s2] =	stream.linear.scatter [tilespmem:s14], [sflag:$0x2], $0xE000, $0x38;
	[tilespmem:$0x1C000] =	vst v63  }
0x14e: {  	_ =	swait.ge [sflag:s13], $0x8000  }
0x14f: {  	[sflag:s13] =	ssyncset.done $0x0  }
0x150: {  	[sflag:s13] =	ssyncadd.s32 $0xFFFF8000  }
0x151: {  	[hbm4b:s4+s2] =	stream.linear.scatter [tilespmem:s2], [sflag:$0x2], $0x8000, $0x38;
	[tilespmem:$0x1C000] =	vst v63  }
0x152: {  	_ = 	snop  }
0x153: {  	[hbm4b:s5+s2] =	stream.linear.scatter [tilespmem:s2], [sflag:$0x2], $0x8000, $0x38;
	[tilespmem:$0x1C000] =	vst v63  }
0x154: {  	_ = 	snop  }
0x155: {  	[hbm4b:s10+s2] =	stream.linear.scatter [tilespmem:s2], [sflag:$0x2], $0x8000, $0x38;
	[tilespmem:$0x1C000] =	vst v63  }
0x156: {  	_ = 	snop  }
0x157: {  	[hbm4b:s11+s2] =	stream.linear.scatter [tilespmem:s2], [sflag:$0x2], $0x8000, $0x38;
	[tilespmem:$0x1C000] =	vst v63  }
0x158: {  	_ =	swait.ge [sflag:s3], $0xE000  }
0x159: {  	[sflag:s3] =	ssyncset.done $0x0  }
0x15a: {  	[sflag:s3] =	ssyncadd.s32 $0xFFFF2000  }
0x15b: {  	_ =	swait.ge [sflag:s3], $0xE000  }
0x15c: {  	[sflag:s3] =	ssyncset.done $0x0  }
0x15d: {  	[sflag:s3] =	ssyncadd.s32 $0xFFFF2000  }
0x15e: {  	_ =	swait.ge [sflag:s3], $0xE000  }
0x15f: {  	[sflag:s3] =	ssyncset.done $0x0  }
0x160: {  	[sflag:s3] =	ssyncadd.s32 $0xFFFF2000  }
0x161: {  	_ =	swait.ge [sflag:s3], $0xE000  }
0x162: {  	[sflag:s3] =	ssyncset.done $0x0  }
0x163: {  	[sflag:s3] =	ssyncadd.s32 $0xFFFF2000  }
0x164: {  	_ =	swait.ge [sflag:s3], $0x8000  }
0x165: {  	[sflag:s3] =	ssyncset.done $0x0  }
0x166: {  	[sflag:s3] =	ssyncadd.s32 $0xFFFF8000  }
0x167: {  	_ =	swait.ge [sflag:s3], $0x8000  }
0x168: {  	[sflag:s3] =	ssyncset.done $0x0  }
0x169: {  	[sflag:s3] =	ssyncadd.s32 $0xFFFF8000  }
0x16a: {  	_ =	swait.ge [sflag:s3], $0x8000  }
0x16b: {  	[sflag:s3] =	ssyncset.done $0x0  }
0x16c: {  	[sflag:s3] =	ssyncadd.s32 $0xFFFF8000  }
0x16d: {  	_ =	swait.ge [sflag:s3], $0x8000  }
0x16e: {  	[sflag:s3] =	ssyncset.done $0x0  }
0x16f: {  	[sflag:s3] =	ssyncadd.s32 $0xFFFF8000  }
0x170: {  	_ =	sfence.sel $0x180000  }
0x171: {  	[bflag:$0x0] =	sbarrier.arrive $0xFFFF  }
0x172: {  	_ =	strace $0x90000047  }
0x173: {  	[bflag:$0x2] =	sbarrier.arrive $0xFFFF  }
0x174: {  	p0 =	sne.s32 s1, $0x0;
	s0 =	rddreg [dreg:$0x2]  }
0x175: {  	s0 =	sadd.s32 @!p0 $0x100000, s0  }
0x176: {  	[sflag:s0] =	ssyncadd.tile.s32 @!p0 $0x1;
	_ =	shalt  }
.Lfunc_end2:
_tile_overlayer_lowered:
.L_overlay_start_2:
0x177: {  	(tag) =	ssettag $0x2  }
0x178: {  	s0 =	rddreg [dreg:$0x0];
	s2 =	stileid.u32  }
0x179: {  	s1 =	rddreg [dreg:$0x1];
	p0 =	sne.s32 s2, $0x0  }
0x17a: {  	s3 =	rddreg [dreg:$0x2];
	[bflag:$0x3] =	sbarrier.arrive $0xFFFF;
	s2 =	simm.s32 @!p0 $0x1C03  }
0x17b: {  	[timem:s3], [sflag:s2] =	dma.local @!p0 [hbm:s0], s1  }
0x17c: {  	s0 =	simm.s32 @!p0 $0x3  }
0x17d: {  	_ =	swait.ge @!p0 [sflag:s0], s1  }
0x17e: {  	s1 =	ssub.s32 @!p0 $0x0, s1;
	[sflag:s0] =	ssyncset.done @!p0 $0x0  }
0x17f: {  	[sflag:s0] =	ssyncadd.s32 @!p0 s1  }
0x180: {  	[bflag:$0x3] =	sbarrier.arrive $0xFFFF  }
0x181: {  	_ =	shalt  }

</sc_bundles>
